<compile_context>
chip_gen: v7x
topology: tpu7x:2x2x1
jax: 0.10.2.dev20260603
libtpu: 0.0.44.dev20260713+nightly
codegen_flags: <defaults>
</compile_context>

<pallas_src>
import functools

import jax
import jax.numpy as jnp
import numpy as np
from jax.experimental import pallas as pl
from jax.experimental.pallas import tpu as pltpu
from jax.experimental.pallas import tpu_sc as plsc

N_RAYS = 2048
N_SAMPLES = 128
GRID = 96
COLOR_DIM = 12
WIDTH = 192
POS_PE = 5
VIEW_PE = 4
NEAR = 0.2
FAR = 2.0
XYZ_MIN = -1.0
XYZ_MAX = 1.0
STEPSIZE = 0.5
VOXEL_SIZE = (XYZ_MAX - XYZ_MIN) / GRID
MASKCACHE_THRES = 1e-3
FASTCOLOR_THRES = 1e-4
SMOOTH_K = 3
SMOOTH_SIGMA = 1.0
FEAT_DIM = 3 + 3 * POS_PE * 2 + 3 * VIEW_PE * 3 + 3

N_PTS = N_RAYS * N_SAMPLES
TABLE_C = 32
ROW_F = 8 * TABLE_C
TABLE_V = GRID * GRID * GRID

SC_NC = 2
SC_NS = 16
SC_NW = SC_NC * SC_NS
B_TOTAL = N_PTS
B_PER_W = B_TOTAL // SC_NW
SC_CHUNK = 256
SC_NCHUNK = B_PER_W // SC_CHUNK

RAYS_PER_TILE = 32
PTS_PER_TILE = RAYS_PER_TILE * N_SAMPLES
N_TILES = N_RAYS // RAYS_PER_TILE

HI = jax.lax.Precision.HIGHEST
MP = jax.lax.Precision.DEFAULT


def _gauss_kernel():
    ax = np.arange(SMOOTH_K) - (SMOOTH_K - 1) / 2.0
    g = np.exp(-(ax ** 2) / (2.0 * SMOOTH_SIGMA ** 2))
    k3 = g[:, None, None] * g[None, :, None] * g[None, None, :]
    return jnp.asarray(k3 / k3.sum(), dtype=jnp.float32)


def _smooth(sdf):
    kern = _gauss_kernel()
    out = jax.lax.conv_general_dilated(sdf[None, None], kern[None, None], (1, 1, 1), 'SAME',
                                       dimension_numbers=('NCDHW', 'OIDHW', 'NCDHW'))
    return out[0, 0]


def _sdf_gradient(sdf):
    gx = jnp.zeros_like(sdf).at[1:-1, :, :].set((sdf[2:, :, :] - sdf[:-2, :, :]) / (2 * VOXEL_SIZE))
    gy = jnp.zeros_like(sdf).at[:, 1:-1, :].set((sdf[:, 2:, :] - sdf[:, :-2, :]) / (2 * VOXEL_SIZE))
    gz = jnp.zeros_like(sdf).at[:, :, 1:-1].set((sdf[:, :, 2:] - sdf[:, :, :-2]) / (2 * VOXEL_SIZE))
    return gx, gy, gz


def _sc_gather_rows(table, idx):
    mesh = plsc.VectorSubcoreMesh(core_axis_name="c", subcore_axis_name="s")

    @functools.partial(
        pl.kernel,
        mesh=mesh,
        out_type=jax.ShapeDtypeStruct((B_TOTAL, ROW_F), jnp.float32),
        scratch_types=[
            pltpu.VMEM((SC_CHUNK,), jnp.int32),
            pltpu.VMEM((SC_CHUNK, ROW_F), jnp.float32),
            pltpu.SemaphoreType.DMA,
        ],
    )
    def k(table_hbm, idx_hbm, out_hbm, idx_v, rows_v, sem):
        wid = jax.lax.axis_index("s") * SC_NC + jax.lax.axis_index("c")
        base0 = wid * B_PER_W

        def body(j, carry):
            base = base0 + j * SC_CHUNK
            pltpu.sync_copy(idx_hbm.at[pl.ds(base, SC_CHUNK)], idx_v)
            pltpu.async_copy(table_hbm.at[idx_v], rows_v, sem).wait()
            pltpu.sync_copy(rows_v, out_hbm.at[pl.ds(base, SC_CHUNK)])
            return carry

        jax.lax.fori_loop(0, SC_NCHUNK, body, 0)

    return k(table, idx)


def _comp_kernel(alpha_ref, w_ref, ainv_ref, cumw_ref):
    a = alpha_ref[...]
    S = N_SAMPLES
    row = jax.lax.broadcasted_iota(jnp.int32, (S, S), 0)
    col = jax.lax.broadcasted_iota(jnp.int32, (S, S), 1)
    m_strict = (row < col).astype(jnp.float32)

    s1 = jnp.log(1.0 - a + 1e-10)
    ts1 = jnp.exp(jax.lax.dot_general(s1, m_strict, (((1,), (0,)), ((), ())), precision=HI))
    w1 = a * ts1
    a2 = jnp.where(w1 > FASTCOLOR_THRES, a, 0.0)
    s2 = jnp.log(1.0 - a2 + 1e-10)
    ts2 = jnp.exp(jax.lax.dot_general(s2, m_strict, (((1,), (0,)), ((), ())), precision=HI))
    w = a2 * ts2
    w_ref[...] = w
    ainv_ref[...] = jnp.exp(jnp.sum(s2, axis=1, keepdims=True))
    cumw_ref[...] = jnp.sum(w, axis=1, keepdims=True)


def _mlp_kernel(feat_ref, offc_ref, emoc_ref, em_ref, wcol_ref,
                ow0c_ref, ow0f_ref, ob0_ref, ow1_ref, ob1_ref, ow2_ref, ob2_ref,
                ew0c_ref, ew0f_ref, eb0_ref, ew1_ref, eb1_ref, ew2_ref, eb2_ref,
                rgbm_ref):
    P, R = PTS_PER_TILE, RAYS_PER_TILE
    feat = feat_ref[...]

    def head(cref, w0c, w0f, b0, wm1, b1, wm2, b2):
        h = jax.lax.dot_general(cref[...], w0c[...], (((1,), (0,)), ((), ())), precision=MP)
        h = h + jax.lax.dot_general(feat, w0f[...], (((1,), (0,)), ((), ())), precision=MP)
        h = jax.nn.relu(h + b0[...])
        h = jax.nn.relu(jax.lax.dot_general(h, wm1[...], (((1,), (0,)), ((), ())), precision=MP) + b1[...])
        o = jax.lax.dot_general(h, wm2[...], (((1,), (0,)), ((), ())), precision=MP) + b2[...]
        return jax.nn.sigmoid(o)

    rgb_off = head(offc_ref, ow0c_ref, ow0f_ref, ob0_ref, ow1_ref, ob1_ref, ow2_ref, ob2_ref)
    rgb_emo = head(emoc_ref, ew0c_ref, ew0f_ref, eb0_ref, ew1_ref, eb1_ref, ew2_ref, eb2_ref)
    rgb = em_ref[...] * rgb_emo + rgb_off
    rgb_w = rgb * wcol_ref[...]

    pid = jax.lax.broadcasted_iota(jnp.int32, (P, R), 0)
    rid = jax.lax.broadcasted_iota(jnp.int32, (P, R), 1)
    ind = (pid // N_SAMPLES == rid).astype(jnp.float32)
    rgbm_ref[0] = jax.lax.dot_general(ind, rgb_w, (((0,), (0,)), ((), ())), precision=MP)


def kernel(rays_o, rays_d, viewdirs, em_modes, sdf_grid, mask_grid, off_grid, emo_grid,
           off_w0, off_b0, off_w1, off_b1, off_w2, off_b2,
           emo_w0, emo_b0, emo_w1, emo_b1, emo_w2, emo_b2, s_val):
    s_val = jnp.asarray(s_val, jnp.float32)
    t = NEAR + (FAR - NEAR) * (jnp.arange(N_SAMPLES, dtype=jnp.float32) + 0.5) / N_SAMPLES
    pts = (rays_o[:, None, :] + rays_d[:, None, :] * t[None, :, None]).reshape(-1, 3)
    ray_id = jnp.repeat(jnp.arange(N_RAYS), N_SAMPLES)
    pts01 = jnp.clip((pts - XYZ_MIN) / (XYZ_MAX - XYZ_MIN), 0.0, 1.0)

    sdf_s = _smooth(sdf_grid)
    gx, gy, gz = _sdf_gradient(sdf_s)
    chans = [sdf_s[None], gx[None], gy[None], gz[None], mask_grid[None], off_grid, emo_grid,
             jnp.zeros((TABLE_C - 29, GRID, GRID, GRID), jnp.float32)]
    chp = jnp.pad(jnp.concatenate(chans, 0), ((0, 0), (0, 1), (0, 1), (0, 1)))
    tp = chp.transpose(1, 2, 3, 0)
    corners = jnp.stack(
        [tp[dx:dx + GRID, dy:dy + GRID, dz:dz + GRID]
         for dx in (0, 1) for dy in (0, 1) for dz in (0, 1)], axis=3)
    table = corners.reshape(TABLE_V, ROW_F)

    c = pts01 * float(GRID - 1)
    c0 = jnp.clip(jnp.floor(c).astype(jnp.int32), 0, GRID - 2)
    f = c - c0.astype(jnp.float32)
    fx, fy, fz = f[:, 0], f[:, 1], f[:, 2]
    wx = jnp.stack([1.0 - fx, fx], 1)
    wy = jnp.stack([1.0 - fy, fy], 1)
    wz = jnp.stack([1.0 - fz, fz], 1)
    w8 = (wx[:, :, None, None] * wy[:, None, :, None] * wz[:, None, None, :]).reshape(-1, 8)
    idx = (c0[:, 0] * GRID + c0[:, 1]) * GRID + c0[:, 2]

    rows = _sc_gather_rows(table, idx)
    feats = jnp.einsum('nk,nkc->nc', w8, rows.reshape(N_PTS, 8, TABLE_C))

    sdf = feats[:, 0]
    gradient = feats[:, 1:4]
    valid = feats[:, 4] > MASKCACHE_THRES
    off_c = feats[:, 5:5 + COLOR_DIM]
    emo_c = feats[:, 17:17 + COLOR_DIM]

    dist = STEPSIZE * VOXEL_SIZE
    dirs = viewdirs[ray_id]
    true_cos = jnp.sum(dirs * gradient, -1)
    iter_cos = -(jax.nn.relu(-true_cos * 0.5 + 0.5) * 0.5 + jax.nn.relu(-true_cos) * 0.5)
    prev_cdf = jax.nn.sigmoid((sdf - iter_cos * dist * 0.5) * s_val)
    next_cdf = jax.nn.sigmoid((sdf + iter_cos * dist * 0.5) * s_val)
    alpha = jnp.clip((prev_cdf - next_cdf + 1e-5) / (prev_cdf + 1e-5), 0.0, 1.0)
    alpha = jnp.where(valid, alpha, 0.0).reshape(N_RAYS, N_SAMPLES)

    w_full, ainv, cumw = pl.pallas_call(
        _comp_kernel,
        out_shape=(
            jax.ShapeDtypeStruct((N_RAYS, N_SAMPLES), jnp.float32),
            jax.ShapeDtypeStruct((N_RAYS, 1), jnp.float32),
            jax.ShapeDtypeStruct((N_RAYS, 1), jnp.float32),
        ),
    )(alpha)
    wcol = w_full.reshape(N_PTS, 1)

    posfreq = jnp.asarray([2.0 ** i for i in range(POS_PE)], jnp.float32)
    viewfreq = jnp.asarray([2.0 ** i for i in range(VIEW_PE)], jnp.float32)
    xyz_emb = (pts01[..., None] * posfreq).reshape(pts01.shape[0], -1)
    view_emb = (viewdirs[..., None] * viewfreq).reshape(N_RAYS, -1)
    normal = gradient / (jnp.linalg.norm(gradient, axis=-1, keepdims=True) + 1e-5)
    rgb_feat = jnp.concatenate([pts01, jnp.sin(xyz_emb), jnp.cos(xyz_emb),
                                view_emb[ray_id], jnp.sin(view_emb)[ray_id], jnp.cos(view_emb)[ray_id],
                                normal], -1)
    em_col = (em_modes == 1).astype(jnp.float32)[ray_id][:, None]

    P = PTS_PER_TILE
    row_spec = lambda d: pl.BlockSpec((P, d), lambda i: (i, 0))
    full_spec = lambda shp: pl.BlockSpec(shp, lambda i: tuple(0 for _ in shp))

    rgbm = pl.pallas_call(
        _mlp_kernel,
        grid=(N_TILES,),
        in_specs=[
            row_spec(FEAT_DIM),
            row_spec(COLOR_DIM),
            row_spec(COLOR_DIM),
            row_spec(1),
            row_spec(1),
            full_spec(off_w0[:COLOR_DIM].shape), full_spec(off_w0[COLOR_DIM:].shape),
            full_spec((1, WIDTH)), full_spec(off_w1.shape), full_spec((1, WIDTH)),
            full_spec(off_w2.shape), full_spec((1, 3)),
            full_spec(emo_w0[:COLOR_DIM].shape), full_spec(emo_w0[COLOR_DIM:].shape),
            full_spec((1, WIDTH)), full_spec(emo_w1.shape), full_spec((1, WIDTH)),
            full_spec(emo_w2.shape), full_spec((1, 3)),
        ],
        out_specs=pl.BlockSpec((1, RAYS_PER_TILE, 3), lambda i: (i, 0, 0)),
        out_shape=jax.ShapeDtypeStruct((N_TILES, RAYS_PER_TILE, 3), jnp.float32),
    )(rgb_feat, off_c, emo_c, em_col, wcol,
      off_w0[:COLOR_DIM], off_w0[COLOR_DIM:], off_b0[None], off_w1, off_b1[None], off_w2, off_b2[None],
      emo_w0[:COLOR_DIM], emo_w0[COLOR_DIM:], emo_b0[None], emo_w1, emo_b1[None], emo_w2, emo_b2[None])

    alphainv_last = ainv.reshape(N_RAYS)
    cum_weights = cumw.reshape(N_RAYS, 1)
    rgb_marched = rgbm.reshape(N_RAYS, 3)
    return alphainv_last, 1.0 - cum_weights, rgb_marched

# --- scband reference (transcript-rebuilt; emitter-appended) ---
"""Pipeline reference for scband-voxurf-c-53841710023270 (READ-ONLY COPY).

The authoritative reference and input builder live on the scoring server;
editing this copy changes nothing except your own understanding.
"""

import jax, jax.numpy as jnp
import numpy as np

N_RAYS = 2048
N_SAMPLES = 128
GRID = 96
COLOR_DIM = 12
WIDTH = 192
POS_PE = 5
VIEW_PE = 4
NEAR = 0.2
FAR = 2.0
XYZ_MIN = -1.0
XYZ_MAX = 1.0
STEPSIZE = 0.5
VOXEL_SIZE = (XYZ_MAX - XYZ_MIN) / GRID
MASKCACHE_THRES = 1e-3
FASTCOLOR_THRES = 1e-4
SMOOTH_K = 3
SMOOTH_SIGMA = 1.0
DIM0 = 3 + 3 * POS_PE * 2 + 3 * VIEW_PE * 3 + COLOR_DIM + 3


def _gauss_kernel():
    ax = np.arange(SMOOTH_K) - (SMOOTH_K - 1) / 2.0
    g = np.exp(-(ax ** 2) / (2.0 * SMOOTH_SIGMA ** 2))
    k3 = g[:, None, None] * g[None, :, None] * g[None, None, :]
    return jnp.asarray(k3 / k3.sum(), dtype=jnp.float32)


def _smooth(sdf):
    kern = _gauss_kernel()
    out = jax.lax.conv_general_dilated(sdf[None, None], kern[None, None], (1, 1, 1), 'SAME',
                                       dimension_numbers=('NCDHW', 'OIDHW', 'NCDHW'))
    return out[0, 0]


def _sdf_gradient(sdf):
    gx = jnp.zeros_like(sdf).at[1:-1, :, :].set((sdf[2:, :, :] - sdf[:-2, :, :]) / (2 * VOXEL_SIZE))
    gy = jnp.zeros_like(sdf).at[:, 1:-1, :].set((sdf[:, 2:, :] - sdf[:, :-2, :]) / (2 * VOXEL_SIZE))
    gz = jnp.zeros_like(sdf).at[:, :, 1:-1].set((sdf[:, :, 2:] - sdf[:, :, :-2]) / (2 * VOXEL_SIZE))
    return jnp.stack([gx, gy, gz], 0)


def _trilinear(grid, pts01):
    C = grid.shape[0]
    c = pts01 * float(GRID - 1)
    c0 = jnp.clip(jnp.floor(c).astype(jnp.int32), 0, GRID - 2)
    f = c - c0.astype(jnp.float32)
    out = jnp.zeros((pts01.shape[0], C), dtype=grid.dtype)
    for dx in (0, 1):
        wx = f[:, 0] if dx else 1.0 - f[:, 0]
        for dy in (0, 1):
            wy = f[:, 1] if dy else 1.0 - f[:, 1]
            for dz in (0, 1):
                wz = f[:, 2] if dz else 1.0 - f[:, 2]
                v = grid[:, c0[:, 0] + dx, c0[:, 1] + dy, c0[:, 2] + dz]
                out = out + (wx * wy * wz)[:, None] * v.T
    return out


def _alphas2weights(alpha):
    a = alpha.reshape(N_RAYS, N_SAMPLES)
    T = jnp.cumprod(1.0 - a + 1e-10, axis=1)
    Ts = jnp.concatenate([jnp.ones((N_RAYS, 1), a.dtype), T[:, :-1]], axis=1)
    return (a * Ts).reshape(-1), T[:, -1]


def _mlp(x, w0, b0, w1, b1, w2, b2):
    h = jax.nn.relu(x @ w0 + b0)
    h = jax.nn.relu(h @ w1 + b1)
    return h @ w2 + b2


def _forward(rays_o, rays_d, viewdirs, em_modes, sdf_grid, mask_grid, off_grid, emo_grid,
             off_w0, off_b0, off_w1, off_b1, off_w2, off_b2,
             emo_w0, emo_b0, emo_w1, emo_b1, emo_w2, emo_b2, s_val):
    t = NEAR + (FAR - NEAR) * (jnp.arange(N_SAMPLES, dtype=jnp.float32) + 0.5) / N_SAMPLES
    pts = (rays_o[:, None, :] + rays_d[:, None, :] * t[None, :, None]).reshape(-1, 3)
    ray_id = jnp.repeat(jnp.arange(N_RAYS), N_SAMPLES)
    pts01 = jnp.clip((pts - XYZ_MIN) / (XYZ_MAX - XYZ_MIN), 0.0, 1.0)
    valid = _trilinear(mask_grid[None], pts01)[:, 0] > MASKCACHE_THRES
    sdf_s = _smooth(sdf_grid)
    sdf = _trilinear(sdf_s[None], pts01)[:, 0]
    gradient = _trilinear(_sdf_gradient(sdf_s), pts01)
    dist = STEPSIZE * VOXEL_SIZE
    dirs = viewdirs[ray_id]
    true_cos = jnp.sum(dirs * gradient, -1)
    iter_cos = -(jax.nn.relu(-true_cos * 0.5 + 0.5) * 0.5 + jax.nn.relu(-true_cos) * 0.5)
    prev_cdf = jax.nn.sigmoid((sdf - iter_cos * dist * 0.5) * s_val)
    next_cdf = jax.nn.sigmoid((sdf + iter_cos * dist * 0.5) * s_val)
    alpha = jnp.clip((prev_cdf - next_cdf + 1e-5) / (prev_cdf + 1e-5), 0.0, 1.0)
    alpha = jnp.where(valid, alpha, 0.0)
    weights, _ = _alphas2weights(alpha)
    alpha = jnp.where(weights > FASTCOLOR_THRES, alpha, 0.0)
    weights, alphainv_last = _alphas2weights(alpha)
    posfreq = jnp.asarray([2.0 ** i for i in range(POS_PE)], jnp.float32)
    viewfreq = jnp.asarray([2.0 ** i for i in range(VIEW_PE)], jnp.float32)
    xyz_emb = (pts01[..., None] * posfreq).reshape(pts01.shape[0], -1)
    view_emb = (viewdirs[..., None] * viewfreq).reshape(N_RAYS, -1)
    normal = gradient / (jnp.linalg.norm(gradient, axis=-1, keepdims=True) + 1e-5)
    rgb_feat = jnp.concatenate([pts01, jnp.sin(xyz_emb), jnp.cos(xyz_emb),
                                view_emb[ray_id], jnp.sin(view_emb)[ray_id], jnp.cos(view_emb)[ray_id],
                                normal], -1)
    off_c = _trilinear(off_grid, pts01)
    emo_c = _trilinear(emo_grid, pts01)
    on_mask = (em_modes[ray_id] == 1)[:, None]
    emo_rgb = jax.nn.sigmoid(_mlp(jnp.concatenate([emo_c, rgb_feat], -1), emo_w0, emo_b0, emo_w1, emo_b1, emo_w2, emo_b2))
    off_rgb = jax.nn.sigmoid(_mlp(jnp.concatenate([off_c, rgb_feat], -1), off_w0, off_b0, off_w1, off_b1, off_w2, off_b2))
    rgb = jnp.where(on_mask, emo_rgb, 0.0) + off_rgb
    w_ = weights[:, None]
    rgb_marched = jax.ops.segment_sum(w_ * rgb, ray_id, num_segments=N_RAYS)
    cum_weights = jax.ops.segment_sum(w_, ray_id, num_segments=N_RAYS)
    return alphainv_last, 1.0 - cum_weights, rgb_marched


def setup_inputs(seed: int = 0):
    key = jax.random.key(seed)
    ks = jax.random.split(key, 12)
    rays_o = jax.random.normal(ks[0], (N_RAYS, 3), jnp.float32) * 0.1
    rays_d = jax.random.normal(ks[1], (N_RAYS, 3), jnp.float32)
    rays_d = rays_d / (jnp.linalg.norm(rays_d, axis=-1, keepdims=True) + 1e-8)
    viewdirs = rays_d
    em_modes = jax.random.randint(ks[2], (N_RAYS,), 0, 2)
    lin = np.linspace(-1.0, 1.0, GRID)
    x, y, z = np.meshgrid(lin, lin, lin, indexing='ij')
    sdf_grid = jnp.asarray(np.sqrt(x ** 2 + y ** 2 + z ** 2) - 0.6, dtype=jnp.float32)
    mask_grid = jax.random.uniform(ks[3], (GRID, GRID, GRID), jnp.float32)
    off_grid = jax.random.normal(ks[4], (COLOR_DIM, GRID, GRID, GRID), jnp.float32) * 0.1
    emo_grid = jax.random.normal(ks[5], (COLOR_DIM, GRID, GRID, GRID), jnp.float32) * 0.1

    def lin_init(k, din, dout):
        return jax.random.normal(k, (din, dout), jnp.float32) / np.sqrt(din)

    return dict(rays_o=rays_o, rays_d=rays_d, viewdirs=viewdirs, em_modes=em_modes,
                sdf_grid=sdf_grid, mask_grid=mask_grid, off_grid=off_grid, emo_grid=emo_grid,
                off_w0=lin_init(ks[6], DIM0, WIDTH), off_b0=jnp.zeros((WIDTH,), jnp.float32),
                off_w1=lin_init(ks[7], WIDTH, WIDTH), off_b1=jnp.zeros((WIDTH,), jnp.float32),
                off_w2=lin_init(ks[8], WIDTH, 3), off_b2=jnp.zeros((3,), jnp.float32),
                emo_w0=lin_init(ks[9], DIM0, WIDTH), emo_b0=jnp.zeros((WIDTH,), jnp.float32),
                emo_w1=lin_init(ks[10], WIDTH, WIDTH), emo_b1=jnp.zeros((WIDTH,), jnp.float32),
                emo_w2=lin_init(ks[11], WIDTH, 3), emo_b2=jnp.zeros((3,), jnp.float32),
                s_val=20)


def reference(rays_o, rays_d, viewdirs, em_modes, sdf_grid, mask_grid, off_grid, emo_grid,
              off_w0, off_b0, off_w1, off_b1, off_w2, off_b2,
              emo_w0, emo_b0, emo_w1, emo_b1, emo_w2, emo_b2, s_val):
    return _forward(rays_o, rays_d, viewdirs, em_modes, sdf_grid, mask_grid, off_grid, emo_grid,
                    off_w0, off_b0, off_w1, off_b1, off_w2, off_b2,
                    emo_w0, emo_b0, emo_w1, emo_b1, emo_w2, emo_b2, jnp.asarray(s_val, jnp.float32))

if __name__ == "__main__":
    import jax
    _d = setup_inputs()
    print(jax.jit(kernel)(*tuple(_d.values())))

</pallas_src>

<mosaic_0001>
#map = affine_map<(d0, d1) -> (0, 0)>
#map1 = affine_map<(d0, d1) -> (0)>
module attributes {stable_mosaic.version = 14 : i64} {
  func.func @k(%arg0: i32, %arg1: i32, %arg2: memref<884736x256xf32, #tpu.memory_space<hbm>>, %arg3: memref<262144xi32, #tpu.memory_space<hbm>>, %arg4: memref<262144x256xf32, #tpu.memory_space<hbm>>, %arg5: memref<256xi32, #tpu.memory_space<vmem>>, %arg6: memref<256x256xf32, #tpu.memory_space<vmem>>, %arg7: memref<!tpu.dma_semaphore, #tpu.memory_space<semaphore_mem>>) attributes {dimension_semantics = [#tpu.dimension_semantics<core_parallel>, #tpu.dimension_semantics<subcore_parallel>], iteration_bounds = array<i64: 2, 16>, scalar_prefetch = 0 : i64, scratch_operands = 3 : i64, tpu.core_type = #tpu.core_type<sc_vector_subcore>, window_params = [{transform_indices = #map}, {transform_indices = #map1}, {transform_indices = #map}]} {
    %mul3A = arith.constant 2 : i32
    %mul3A_0 = arith.muli %arg1, %mul3A : i32
    %add3A = arith.addi %mul3A_0, %arg0 : i32
    %mul3A_1 = arith.constant 8192 : i32
    %mul3A_2 = arith.muli %add3A, %mul3A_1 : i32
    %scan3A = arith.constant 0 : i32
    %scan3A_3 = arith.constant 0 : i32
    %scan3A_4 = arith.constant 32 : i32
    %scan3A_5 = arith.addi %scan3A_3, %scan3A_4 : i32
    %scan3A_6 = arith.constant 1 : i32
    scf.for %scan3A_8 = %scan3A_3 to %scan3A_5 step %scan3A_6  : i32 {
      %mul3A_9 = arith.constant 256 : i32
      %mul3A_10 = arith.muli %scan3A_8, %mul3A_9 : i32
      %add3A_11 = arith.addi %mul3A_2, %mul3A_10 : i32
      "tpu.region"() ({
        %run_scoped3A = tpu.sem_alloc : memref<!tpu.dma_semaphore, #tpu.memory_space<semaphore_mem>>
        %dma_start3A_16 = tpu.memref_slice %arg3[%add3A_11] : memref<262144xi32, #tpu.memory_space<hbm>> -> memref<256xi32, #tpu.memory_space<hbm>>
        %dma_start3A_17 = tpu.memref_slice %arg3[%add3A_11] : memref<262144xi32, #tpu.memory_space<hbm>> -> memref<256xi32, #tpu.memory_space<hbm>>
        tpu.enqueue_dma source(%dma_start3A_17 : memref<256xi32, #tpu.memory_space<hbm>>) target(%arg5 : memref<256xi32, #tpu.memory_space<vmem>>) target_semaphore(%run_scoped3A : memref<!tpu.dma_semaphore, #tpu.memory_space<semaphore_mem>>)
        %dma_wait3A_18 = tpu.memref_slice %arg3[%add3A_11] : memref<262144xi32, #tpu.memory_space<hbm>> -> memref<256xi32, #tpu.memory_space<hbm>>
        %dma_wait3A_19 = tpu.memref_slice %arg3[%add3A_11] : memref<262144xi32, #tpu.memory_space<hbm>> -> memref<256xi32, #tpu.memory_space<hbm>>
        tpu.wait_dma2 semaphore(%run_scoped3A : memref<!tpu.dma_semaphore, #tpu.memory_space<semaphore_mem>>) src(%dma_wait3A_19 : memref<256xi32, #tpu.memory_space<hbm>>) dst(%arg5 : memref<256xi32, #tpu.memory_space<vmem>>)
        tpu.yield
      }) : () -> ()
      %dma_start3A = arith.constant 0 : i32
      %dma_start3A_12 = arith.constant 0 : i32
      %dma_start3A_13 = tpu.memref_slice %arg2[%dma_start3A, %dma_start3A_12] : memref<884736x256xf32, #tpu.memory_space<hbm>> -> memref<884736x256xf32, #tpu.memory_space<hbm>>
      tpu.enqueue_indirect_dma source(%dma_start3A_13 : memref<884736x256xf32, #tpu.memory_space<hbm>>) target(%arg6 : memref<256x256xf32, #tpu.memory_space<vmem>>) offsets(%arg5 : memref<256xi32, #tpu.memory_space<vmem>>) semaphore(%arg7 : memref<!tpu.dma_semaphore, #tpu.memory_space<semaphore_mem>>)
      %dma_wait3A = arith.constant 0 : i32
      %dma_wait3A_14 = arith.constant 0 : i32
      %dma_wait3A_15 = tpu.memref_slice %arg2[%dma_wait3A, %dma_wait3A_14] : memref<884736x256xf32, #tpu.memory_space<hbm>> -> memref<884736x256xf32, #tpu.memory_space<hbm>>
      tpu.wait_indirect_dma semaphore(%arg7 : memref<!tpu.dma_semaphore, #tpu.memory_space<semaphore_mem>>) src(%dma_wait3A_15 : memref<884736x256xf32, #tpu.memory_space<hbm>>) dst(%arg6 : memref<256x256xf32, #tpu.memory_space<vmem>>)
      "tpu.region"() ({
        %run_scoped3A = tpu.sem_alloc : memref<!tpu.dma_semaphore, #tpu.memory_space<semaphore_mem>>
        %dma_start3A_16 = arith.constant 0 : i32
        %dma_start3A_17 = tpu.memref_slice %arg4[%add3A_11, %dma_start3A_16] : memref<262144x256xf32, #tpu.memory_space<hbm>> -> memref<256x256xf32, #tpu.memory_space<hbm>>
        %dma_start3A_18 = arith.constant 0 : i32
        %dma_start3A_19 = tpu.memref_slice %arg4[%add3A_11, %dma_start3A_18] : memref<262144x256xf32, #tpu.memory_space<hbm>> -> memref<256x256xf32, #tpu.memory_space<hbm>>
        tpu.enqueue_dma source(%arg6 : memref<256x256xf32, #tpu.memory_space<vmem>>) target(%dma_start3A_19 : memref<256x256xf32, #tpu.memory_space<hbm>>) target_semaphore(%run_scoped3A : memref<!tpu.dma_semaphore, #tpu.memory_space<semaphore_mem>>)
        %dma_wait3A_20 = arith.constant 0 : i32
        %dma_wait3A_21 = tpu.memref_slice %arg4[%add3A_11, %dma_wait3A_20] : memref<262144x256xf32, #tpu.memory_space<hbm>> -> memref<256x256xf32, #tpu.memory_space<hbm>>
        %dma_wait3A_22 = arith.constant 0 : i32
        %dma_wait3A_23 = tpu.memref_slice %arg4[%add3A_11, %dma_wait3A_22] : memref<262144x256xf32, #tpu.memory_space<hbm>> -> memref<256x256xf32, #tpu.memory_space<hbm>>
        tpu.wait_dma2 semaphore(%run_scoped3A : memref<!tpu.dma_semaphore, #tpu.memory_space<semaphore_mem>>) src(%arg6 : memref<256x256xf32, #tpu.memory_space<vmem>>) dst(%dma_wait3A_23 : memref<256x256xf32, #tpu.memory_space<hbm>>)
        tpu.yield
      }) : () -> ()
    }
    %scan3A_7 = arith.constant 32 : i32
    return
  }
}

module attributes {stable_mosaic.version = 14 : i64} {
  func.func @_comp_kernel(%arg0: memref<2048x128xf32, #tpu.memory_space<vmem>>, %arg1: memref<2048x128xf32, #tpu.memory_space<vmem>>, %arg2: memref<2048x1xf32, #tpu.memory_space<vmem>>, %arg3: memref<2048x1xf32, #tpu.memory_space<vmem>>) attributes {dimension_semantics = [], scalar_prefetch = 0 : i64, scratch_operands = 0 : i64, tpu.core_type = #tpu.core_type<tc>} {
    %get3A = arith.constant 0 : index
    %get3A_0 = arith.constant 0 : index
    %get3A_1 = vector.load %arg0[%get3A, %get3A_0] : memref<2048x128xf32, #tpu.memory_space<vmem>>, vector<2048x128xf32>
    %iota3A = tpu.iota {dimensions = array<i32: 0>} : vector<128x128xi32>
    %iota3A_2 = tpu.iota {dimensions = array<i32: 1>} : vector<128x128xi32>
    %lt3A = arith.cmpi slt, %iota3A, %iota3A_2 : vector<128x128xi32>
    %convert_element_type3A = arith.extui %lt3A : vector<128x128xi1> to vector<128x128xi32>
    %convert_element_type3A_3 = arith.sitofp %convert_element_type3A : vector<128x128xi32> to vector<128x128xf32>
    %sub3A = arith.constant 1.000000e+00 : f32
    %sub3A_4 = vector.broadcast %sub3A : f32 to vector<2048x128xf32>
    %sub3A_5 = arith.subf %sub3A_4, %get3A_1 : vector<2048x128xf32>
    %add3A = arith.constant 1.000000e-10 : f32
    %add3A_6 = vector.broadcast %add3A : f32 to vector<2048x128xf32>
    %add3A_7 = arith.addf %sub3A_5, %add3A_6 : vector<2048x128xf32>
    %log3A = math.log %add3A_7 : vector<2048x128xf32>
    %dot_general3A = arith.constant dense<0.000000e+00> : vector<2048x128xf32>
    %dot_general3A_8 = tpu.matmul %log3A, %convert_element_type3A_3, %dot_general3A {dimension_numbers = #tpu.dot_dimension_numbers<[1], [0], [0], [1], [0, 0, 1, 1], [], []>, precision = #tpu.contract_precision<fp32>, transpose_lhs_hint = false} : vector<2048x128xf32>, vector<128x128xf32>, vector<2048x128xf32> -> vector<2048x128xf32>
    %exp3A = math.exp %dot_general3A_8 : vector<2048x128xf32>
    %mul3A = arith.mulf %get3A_1, %exp3A : vector<2048x128xf32>
    %gt3A = arith.constant 9.99999974E-5 : f32
    %gt3A_9 = vector.broadcast %gt3A : f32 to vector<2048x128xf32>
    %gt3A_10 = arith.cmpf ogt, %mul3A, %gt3A_9 : vector<2048x128xf32>
    %jit3A = arith.constant 0.000000e+00 : f32
    %broadcast_in_dim3A = vector.broadcast %jit3A : f32 to vector<2048x128xf32>
    %select_n3A = arith.select %gt3A_10, %get3A_1, %broadcast_in_dim3A : vector<2048x128xi1>, vector<2048x128xf32>
    %sub3A_11 = arith.constant 1.000000e+00 : f32
    %sub3A_12 = vector.broadcast %sub3A_11 : f32 to vector<2048x128xf32>
    %sub3A_13 = arith.subf %sub3A_12, %select_n3A : vector<2048x128xf32>
    %add3A_14 = arith.constant 1.000000e-10 : f32
    %add3A_15 = vector.broadcast %add3A_14 : f32 to vector<2048x128xf32>
    %add3A_16 = arith.addf %sub3A_13, %add3A_15 : vector<2048x128xf32>
    %log3A_17 = math.log %add3A_16 : vector<2048x128xf32>
    %dot_general3A_18 = arith.constant dense<0.000000e+00> : vector<2048x128xf32>
    %dot_general3A_19 = tpu.matmul %log3A_17, %convert_element_type3A_3, %dot_general3A_18 {dimension_numbers = #tpu.dot_dimension_numbers<[1], [0], [0], [1], [0, 0, 1, 1], [], []>, precision = #tpu.contract_precision<fp32>, transpose_lhs_hint = false} : vector<2048x128xf32>, vector<128x128xf32>, vector<2048x128xf32> -> vector<2048x128xf32>
    %exp3A_20 = math.exp %dot_general3A_19 : vector<2048x128xf32>
    %mul3A_21 = arith.mulf %select_n3A, %exp3A_20 : vector<2048x128xf32>
    %swap3A = arith.constant 0 : index
    %swap3A_22 = arith.constant 0 : index
    %swap3A_23 = vector.load %arg1[%swap3A, %swap3A_22] : memref<2048x128xf32, #tpu.memory_space<vmem>>, vector<2048x128xf32>
    tpu.vector_store %arg1[%swap3A, %swap3A_22], %mul3A_21 {strides = array<i32>} : memref<2048x128xf32, #tpu.memory_space<vmem>>, vector<2048x128xf32>,
    %reduce_sum3A = arith.constant dense<0.000000e+00> : vector<2048xf32>
    %reduce_sum3A_24 = vector.multi_reduction <add>, %log3A_17, %reduce_sum3A [1] : vector<2048x128xf32> to vector<2048xf32>
    %broadcast_in_dim3A_25 = vector.shape_cast %reduce_sum3A_24 : vector<2048xf32> to vector<2048x1xf32>
    %exp3A_26 = math.exp %broadcast_in_dim3A_25 : vector<2048x1xf32>
    %swap3A_27 = arith.constant 0 : index
    %swap3A_28 = arith.constant 0 : index
    %swap3A_29 = vector.load %arg2[%swap3A_27, %swap3A_28] : memref<2048x1xf32, #tpu.memory_space<vmem>>, vector<2048x1xf32>
    tpu.vector_store %arg2[%swap3A_27, %swap3A_28], %exp3A_26 {strides = array<i32>} : memref<2048x1xf32, #tpu.memory_space<vmem>>, vector<2048x1xf32>,
    %reduce_sum3A_30 = arith.constant dense<0.000000e+00> : vector<2048xf32>
    %reduce_sum3A_31 = vector.multi_reduction <add>, %mul3A_21, %reduce_sum3A_30 [1] : vector<2048x128xf32> to vector<2048xf32>
    %broadcast_in_dim3A_32 = vector.shape_cast %reduce_sum3A_31 : vector<2048xf32> to vector<2048x1xf32>
    %swap3A_33 = arith.constant 0 : index
    %swap3A_34 = arith.constant 0 : index
    %swap3A_35 = vector.load %arg3[%swap3A_33, %swap3A_34] : memref<2048x1xf32, #tpu.memory_space<vmem>>, vector<2048x1xf32>
    tpu.vector_store %arg3[%swap3A_33, %swap3A_34], %broadcast_in_dim3A_32 {strides = array<i32>} : memref<2048x1xf32, #tpu.memory_space<vmem>>, vector<2048x1xf32>,
    return
  }
}

module attributes {stable_mosaic.version = 14 : i64} {
  func.func @_mlp_kernel(%arg0: i32, %arg1: memref<4096x72xf32, #tpu.memory_space<vmem>>, %arg2: memref<4096x12xf32, #tpu.memory_space<vmem>>, %arg3: memref<4096x12xf32, #tpu.memory_space<vmem>>, %arg4: memref<4096x1xf32, #tpu.memory_space<vmem>>, %arg5: memref<4096x1xf32, #tpu.memory_space<vmem>>, %arg6: memref<12x192xf32, #tpu.memory_space<vmem>>, %arg7: memref<72x192xf32, #tpu.memory_space<vmem>>, %arg8: memref<1x192xf32, #tpu.memory_space<vmem>>, %arg9: memref<192x192xf32, #tpu.memory_space<vmem>>, %arg10: memref<1x192xf32, #tpu.memory_space<vmem>>, %arg11: memref<192x3xf32, #tpu.memory_space<vmem>>, %arg12: memref<1x3xf32, #tpu.memory_space<vmem>>, %arg13: memref<12x192xf32, #tpu.memory_space<vmem>>, %arg14: memref<72x192xf32, #tpu.memory_space<vmem>>, %arg15: memref<1x192xf32, #tpu.memory_space<vmem>>, %arg16: memref<192x192xf32, #tpu.memory_space<vmem>>, %arg17: memref<1x192xf32, #tpu.memory_space<vmem>>, %arg18: memref<192x3xf32, #tpu.memory_space<vmem>>, %arg19: memref<1x3xf32, #tpu.memory_space<vmem>>, %arg20: memref<1x32x3xf32, #tpu.memory_space<vmem>>) attributes {dimension_semantics = [#tpu.dimension_semantics<arbitrary>], iteration_bounds = array<i64: 64>, scalar_prefetch = 0 : i64, scratch_operands = 0 : i64, tpu.core_type = #tpu.core_type<tc>, window_params = [{transform_indices = @transform_0, window_bounds = array<i64: 4096, 72>}, {transform_indices = @transform_1, window_bounds = array<i64: 4096, 12>}, {transform_indices = @transform_2, window_bounds = array<i64: 4096, 12>}, {transform_indices = @transform_3, window_bounds = array<i64: 4096, 1>}, {transform_indices = @transform_4, window_bounds = array<i64: 4096, 1>}, {pipeline_mode = #tpu.pipeline_mode<synchronous>, transform_indices = @transform_5, window_bounds = array<i64: 12, 192>}, {pipeline_mode = #tpu.pipeline_mode<synchronous>, transform_indices = @transform_6, window_bounds = array<i64: 72, 192>}, {pipeline_mode = #tpu.pipeline_mode<synchronous>, transform_indices = @transform_7, window_bounds = array<i64: 1, 192>}, {pipeline_mode = #tpu.pipeline_mode<synchronous>, transform_indices = @transform_8, window_bounds = array<i64: 192, 192>}, {pipeline_mode = #tpu.pipeline_mode<synchronous>, transform_indices = @transform_9, window_bounds = array<i64: 1, 192>}, {pipeline_mode = #tpu.pipeline_mode<synchronous>, transform_indices = @transform_10, window_bounds = array<i64: 192, 3>}, {pipeline_mode = #tpu.pipeline_mode<synchronous>, transform_indices = @transform_11, window_bounds = array<i64: 1, 3>}, {pipeline_mode = #tpu.pipeline_mode<synchronous>, transform_indices = @transform_12, window_bounds = array<i64: 12, 192>}, {pipeline_mode = #tpu.pipeline_mode<synchronous>, transform_indices = @transform_13, window_bounds = array<i64: 72, 192>}, {pipeline_mode = #tpu.pipeline_mode<synchronous>, transform_indices = @transform_14, window_bounds = array<i64: 1, 192>}, {pipeline_mode = #tpu.pipeline_mode<synchronous>, transform_indices = @transform_15, window_bounds = array<i64: 192, 192>}, {pipeline_mode = #tpu.pipeline_mode<synchronous>, transform_indices = @transform_16, window_bounds = array<i64: 1, 192>}, {pipeline_mode = #tpu.pipeline_mode<synchronous>, transform_indices = @transform_17, window_bounds = array<i64: 192, 3>}, {pipeline_mode = #tpu.pipeline_mode<synchronous>, transform_indices = @transform_18, window_bounds = array<i64: 1, 3>}, {transform_indices = @transform_19, window_bounds = array<i64: 1, 32, 3>}]} {
    %get3A = arith.constant 0 : index
    %get3A_0 = arith.constant 0 : index
    %get3A_1 = vector.load %arg1[%get3A, %get3A_0] : memref<4096x72xf32, #tpu.memory_space<vmem>>, vector<4096x72xf32>
    %get3A_2 = arith.constant 0 : index
    %get3A_3 = arith.constant 0 : index
    %get3A_4 = vector.load %arg2[%get3A_2, %get3A_3] : memref<4096x12xf32, #tpu.memory_space<vmem>>, vector<4096x12xf32>
    %get3A_5 = arith.constant 0 : index
    %get3A_6 = arith.constant 0 : index
    %get3A_7 = vector.load %arg6[%get3A_5, %get3A_6] : memref<12x192xf32, #tpu.memory_space<vmem>>, vector<12x192xf32>
    %dot_general3A = arith.constant dense<0.000000e+00> : vector<4096x192xf32>
    %dot_general3A_8 = tpu.matmul %get3A_4, %get3A_7, %dot_general3A {dimension_numbers = #tpu.dot_dimension_numbers<[1], [0], [0], [1], [0, 0, 1, 1], [], []>, transpose_lhs_hint = false} : vector<4096x12xf32>, vector<12x192xf32>, vector<4096x192xf32> -> vector<4096x192xf32>
    %get3A_9 = arith.constant 0 : index
    %get3A_10 = arith.constant 0 : index
    %get3A_11 = vector.load %arg7[%get3A_9, %get3A_10] : memref<72x192xf32, #tpu.memory_space<vmem>>, vector<72x192xf32>
    %dot_general3A_12 = arith.constant dense<0.000000e+00> : vector<4096x192xf32>
    %dot_general3A_13 = tpu.matmul %get3A_1, %get3A_11, %dot_general3A_12 {dimension_numbers = #tpu.dot_dimension_numbers<[1], [0], [0], [1], [0, 0, 1, 1], [], []>, transpose_lhs_hint = false} : vector<4096x72xf32>, vector<72x192xf32>, vector<4096x192xf32> -> vector<4096x192xf32>
    %add3A = arith.addf %dot_general3A_8, %dot_general3A_13 : vector<4096x192xf32>
    %get3A_14 = arith.constant 0 : index
    %get3A_15 = arith.constant 0 : index
    %get3A_16 = vector.load %arg8[%get3A_14, %get3A_15] : memref<1x192xf32, #tpu.memory_space<vmem>>, vector<1x192xf32>
    %add3A_17 = vector.broadcast %get3A_16 : vector<1x192xf32> to vector<4096x192xf32>
    %add3A_18 = arith.addf %add3A, %add3A_17 : vector<4096x192xf32>
    %max3A = arith.constant 0.000000e+00 : f32
    %max3A_19 = vector.broadcast %max3A : f32 to vector<4096x192xf32>
    %max3A_20 = arith.maximumf %add3A_18, %max3A_19 : vector<4096x192xf32>
    %get3A_21 = arith.constant 0 : index
    %get3A_22 = arith.constant 0 : index
    %get3A_23 = vector.load %arg9[%get3A_21, %get3A_22] : memref<192x192xf32, #tpu.memory_space<vmem>>, vector<192x192xf32>
    %dot_general3A_24 = arith.constant dense<0.000000e+00> : vector<4096x192xf32>
    %dot_general3A_25 = tpu.matmul %max3A_20, %get3A_23, %dot_general3A_24 {dimension_numbers = #tpu.dot_dimension_numbers<[1], [0], [0], [1], [0, 0, 1, 1], [], []>, transpose_lhs_hint = false} : vector<4096x192xf32>, vector<192x192xf32>, vector<4096x192xf32> -> vector<4096x192xf32>
    %get3A_26 = arith.constant 0 : index
    %get3A_27 = arith.constant 0 : index
    %get3A_28 = vector.load %arg10[%get3A_26, %get3A_27] : memref<1x192xf32, #tpu.memory_space<vmem>>, vector<1x192xf32>
    %add3A_29 = vector.broadcast %get3A_28 : vector<1x192xf32> to vector<4096x192xf32>
    %add3A_30 = arith.addf %dot_general3A_25, %add3A_29 : vector<4096x192xf32>
    %max3A_31 = arith.constant 0.000000e+00 : f32
    %max3A_32 = vector.broadcast %max3A_31 : f32 to vector<4096x192xf32>
    %max3A_33 = arith.maximumf %add3A_30, %max3A_32 : vector<4096x192xf32>
    %get3A_34 = arith.constant 0 : index
    %get3A_35 = arith.constant 0 : index
    %get3A_36 = vector.load %arg11[%get3A_34, %get3A_35] : memref<192x3xf32, #tpu.memory_space<vmem>>, vector<192x3xf32>
    %dot_general3A_37 = arith.constant dense<0.000000e+00> : vector<4096x3xf32>
    %dot_general3A_38 = tpu.matmul %max3A_33, %get3A_36, %dot_general3A_37 {dimension_numbers = #tpu.dot_dimension_numbers<[1], [0], [0], [1], [0, 0, 1, 1], [], []>, transpose_lhs_hint = false} : vector<4096x192xf32>, vector<192x3xf32>, vector<4096x3xf32> -> vector<4096x3xf32>
    %get3A_39 = arith.constant 0 : index
    %get3A_40 = arith.constant 0 : index
    %get3A_41 = vector.load %arg12[%get3A_39, %get3A_40] : memref<1x3xf32, #tpu.memory_space<vmem>>, vector<1x3xf32>
    %add3A_42 = vector.broadcast %get3A_41 : vector<1x3xf32> to vector<4096x3xf32>
    %add3A_43 = arith.addf %dot_general3A_38, %add3A_42 : vector<4096x3xf32>
    %logistic3A = arith.negf %add3A_43 : vector<4096x3xf32>
    %logistic3A_44 = math.exp %logistic3A : vector<4096x3xf32>
    %logistic3A_45 = arith.constant 1.000000e+00 : f32
    %logistic3A_46 = vector.broadcast %logistic3A_45 : f32 to vector<4096x3xf32>
    %logistic3A_47 = arith.addf %logistic3A_46, %logistic3A_44 : vector<4096x3xf32>
    %logistic3A_48 = arith.divf %logistic3A_46, %logistic3A_47 : vector<4096x3xf32>
    %get3A_49 = arith.constant 0 : index
    %get3A_50 = arith.constant 0 : index
    %get3A_51 = vector.load %arg3[%get3A_49, %get3A_50] : memref<4096x12xf32, #tpu.memory_space<vmem>>, vector<4096x12xf32>
    %get3A_52 = arith.constant 0 : index
    %get3A_53 = arith.constant 0 : index
    %get3A_54 = vector.load %arg13[%get3A_52, %get3A_53] : memref<12x192xf32, #tpu.memory_space<vmem>>, vector<12x192xf32>
    %dot_general3A_55 = arith.constant dense<0.000000e+00> : vector<4096x192xf32>
    %dot_general3A_56 = tpu.matmul %get3A_51, %get3A_54, %dot_general3A_55 {dimension_numbers = #tpu.dot_dimension_numbers<[1], [0], [0], [1], [0, 0, 1, 1], [], []>, transpose_lhs_hint = false} : vector<4096x12xf32>, vector<12x192xf32>, vector<4096x192xf32> -> vector<4096x192xf32>
    %get3A_57 = arith.constant 0 : index
    %get3A_58 = arith.constant 0 : index
    %get3A_59 = vector.load %arg14[%get3A_57, %get3A_58] : memref<72x192xf32, #tpu.memory_space<vmem>>, vector<72x192xf32>
    %dot_general3A_60 = arith.constant dense<0.000000e+00> : vector<4096x192xf32>
    %dot_general3A_61 = tpu.matmul %get3A_1, %get3A_59, %dot_general3A_60 {dimension_numbers = #tpu.dot_dimension_numbers<[1], [0], [0], [1], [0, 0, 1, 1], [], []>, transpose_lhs_hint = false} : vector<4096x72xf32>, vector<72x192xf32>, vector<4096x192xf32> -> vector<4096x192xf32>
    %add3A_62 = arith.addf %dot_general3A_56, %dot_general3A_61 : vector<4096x192xf32>
    %get3A_63 = arith.constant 0 : index
    %get3A_64 = arith.constant 0 : index
    %get3A_65 = vector.load %arg15[%get3A_63, %get3A_64] : memref<1x192xf32, #tpu.memory_space<vmem>>, vector<1x192xf32>
    %add3A_66 = vector.broadcast %get3A_65 : vector<1x192xf32> to vector<4096x192xf32>
    %add3A_67 = arith.addf %add3A_62, %add3A_66 : vector<4096x192xf32>
    %max3A_68 = arith.constant 0.000000e+00 : f32
    %max3A_69 = vector.broadcast %max3A_68 : f32 to vector<4096x192xf32>
    %max3A_70 = arith.maximumf %add3A_67, %max3A_69 : vector<4096x192xf32>
    %get3A_71 = arith.constant 0 : index
    %get3A_72 = arith.constant 0 : index
    %get3A_73 = vector.load %arg16[%get3A_71, %get3A_72] : memref<192x192xf32, #tpu.memory_space<vmem>>, vector<192x192xf32>
    %dot_general3A_74 = arith.constant dense<0.000000e+00> : vector<4096x192xf32>
    %dot_general3A_75 = tpu.matmul %max3A_70, %get3A_73, %dot_general3A_74 {dimension_numbers = #tpu.dot_dimension_numbers<[1], [0], [0], [1], [0, 0, 1, 1], [], []>, transpose_lhs_hint = false} : vector<4096x192xf32>, vector<192x192xf32>, vector<4096x192xf32> -> vector<4096x192xf32>
    %get3A_76 = arith.constant 0 : index
    %get3A_77 = arith.constant 0 : index
    %get3A_78 = vector.load %arg17[%get3A_76, %get3A_77] : memref<1x192xf32, #tpu.memory_space<vmem>>, vector<1x192xf32>
    %add3A_79 = vector.broadcast %get3A_78 : vector<1x192xf32> to vector<4096x192xf32>
    %add3A_80 = arith.addf %dot_general3A_75, %add3A_79 : vector<4096x192xf32>
    %max3A_81 = arith.constant 0.000000e+00 : f32
    %max3A_82 = vector.broadcast %max3A_81 : f32 to vector<4096x192xf32>
    %max3A_83 = arith.maximumf %add3A_80, %max3A_82 : vector<4096x192xf32>
    %get3A_84 = arith.constant 0 : index
    %get3A_85 = arith.constant 0 : index
    %get3A_86 = vector.load %arg18[%get3A_84, %get3A_85] : memref<192x3xf32, #tpu.memory_space<vmem>>, vector<192x3xf32>
    %dot_general3A_87 = arith.constant dense<0.000000e+00> : vector<4096x3xf32>
    %dot_general3A_88 = tpu.matmul %max3A_83, %get3A_86, %dot_general3A_87 {dimension_numbers = #tpu.dot_dimension_numbers<[1], [0], [0], [1], [0, 0, 1, 1], [], []>, transpose_lhs_hint = false} : vector<4096x192xf32>, vector<192x3xf32>, vector<4096x3xf32> -> vector<4096x3xf32>
    %get3A_89 = arith.constant 0 : index
    %get3A_90 = arith.constant 0 : index
    %get3A_91 = vector.load %arg19[%get3A_89, %get3A_90] : memref<1x3xf32, #tpu.memory_space<vmem>>, vector<1x3xf32>
    %add3A_92 = vector.broadcast %get3A_91 : vector<1x3xf32> to vector<4096x3xf32>
    %add3A_93 = arith.addf %dot_general3A_88, %add3A_92 : vector<4096x3xf32>
    %logistic3A_94 = arith.negf %add3A_93 : vector<4096x3xf32>
    %logistic3A_95 = math.exp %logistic3A_94 : vector<4096x3xf32>
    %logistic3A_96 = arith.constant 1.000000e+00 : f32
    %logistic3A_97 = vector.broadcast %logistic3A_96 : f32 to vector<4096x3xf32>
    %logistic3A_98 = arith.addf %logistic3A_97, %logistic3A_95 : vector<4096x3xf32>
    %logistic3A_99 = arith.divf %logistic3A_97, %logistic3A_98 : vector<4096x3xf32>
    %get3A_100 = arith.constant 0 : index
    %get3A_101 = arith.constant 0 : index
    %get3A_102 = vector.load %arg4[%get3A_100, %get3A_101] : memref<4096x1xf32, #tpu.memory_space<vmem>>, vector<4096x1xf32>
    %mul3A = vector.broadcast %get3A_102 : vector<4096x1xf32> to vector<4096x3xf32>
    %mul3A_103 = arith.mulf %mul3A, %logistic3A_99 : vector<4096x3xf32>
    %add3A_104 = arith.addf %mul3A_103, %logistic3A_48 : vector<4096x3xf32>
    %get3A_105 = arith.constant 0 : index
    %get3A_106 = arith.constant 0 : index
    %get3A_107 = vector.load %arg5[%get3A_105, %get3A_106] : memref<4096x1xf32, #tpu.memory_space<vmem>>, vector<4096x1xf32>
    %mul3A_108 = vector.broadcast %get3A_107 : vector<4096x1xf32> to vector<4096x3xf32>
    %mul3A_109 = arith.mulf %add3A_104, %mul3A_108 : vector<4096x3xf32>
    %iota3A = tpu.iota {dimensions = array<i32: 0>} : vector<4096x32xi32>
    %iota3A_110 = tpu.iota {dimensions = array<i32: 1>} : vector<4096x32xi32>
    %jit3A = arith.constant 128 : i32
    %div3A = vector.broadcast %jit3A : i32 to vector<4096x32xi32>
    %div3A_111 = arith.divsi %iota3A, %div3A : vector<4096x32xi32>
    %sign3A = arith.constant 0 : i32
    %sign3A_112 = vector.broadcast %sign3A : i32 to vector<4096x32xi32>
    %sign3A_113 = arith.cmpi sgt, %iota3A, %sign3A_112 : vector<4096x32xi32>
    %sign3A_114 = arith.extui %sign3A_113 : vector<4096x32xi1> to vector<4096x32xi32>
    %sign3A_115 = arith.constant 0 : i32
    %sign3A_116 = vector.broadcast %sign3A_115 : i32 to vector<4096x32xi32>
    %sign3A_117 = arith.cmpi slt, %iota3A, %sign3A_116 : vector<4096x32xi32>
    %sign3A_118 = arith.extui %sign3A_117 : vector<4096x32xi1> to vector<4096x32xi32>
    %sign3A_119 = arith.subi %sign3A_114, %sign3A_118 : vector<4096x32xi32>
    %sign3A_120 = arith.constant 0 : i32
    %sign3A_121 = arith.cmpi sgt, %jit3A, %sign3A_120 : i32
    %sign3A_122 = arith.extui %sign3A_121 : i1 to i32
    %sign3A_123 = arith.constant 0 : i32
    %sign3A_124 = arith.cmpi slt, %jit3A, %sign3A_123 : i32
    %sign3A_125 = arith.extui %sign3A_124 : i1 to i32
    %sign3A_126 = arith.subi %sign3A_122, %sign3A_125 : i32
    %ne3A = vector.broadcast %sign3A_126 : i32 to vector<4096x32xi32>
    %ne3A_127 = arith.cmpi ne, %sign3A_119, %ne3A : vector<4096x32xi32>
    %rem3A = vector.broadcast %jit3A : i32 to vector<4096x32xi32>
    %rem3A_128 = arith.remsi %iota3A, %rem3A : vector<4096x32xi32>
    %ne3A_129 = arith.constant 0 : i32
    %ne3A_130 = vector.broadcast %ne3A_129 : i32 to vector<4096x32xi32>
    %ne3A_131 = arith.cmpi ne, %rem3A_128, %ne3A_130 : vector<4096x32xi32>
    %and3A = arith.andi %ne3A_127, %ne3A_131 : vector<4096x32xi1>
    %sub3A = arith.constant 1 : i32
    %sub3A_132 = vector.broadcast %sub3A : i32 to vector<4096x32xi32>
    %sub3A_133 = arith.subi %div3A_111, %sub3A_132 : vector<4096x32xi32>
    %select_n3A = arith.select %and3A, %sub3A_133, %div3A_111 : vector<4096x32xi1>, vector<4096x32xi32>
    %eq3A = arith.cmpi eq, %select_n3A, %iota3A_110 : vector<4096x32xi32>
    %convert_element_type3A = arith.extui %eq3A : vector<4096x32xi1> to vector<4096x32xi32>
    %convert_element_type3A_134 = arith.sitofp %convert_element_type3A : vector<4096x32xi32> to vector<4096x32xf32>
    %dot_general3A_135 = arith.constant dense<0.000000e+00> : vector<32x3xf32>
    %dot_general3A_136 = tpu.matmul %convert_element_type3A_134, %mul3A_109, %dot_general3A_135 {dimension_numbers = #tpu.dot_dimension_numbers<[0], [0], [1], [1], [0, 1, 1, 1], [], []>, transpose_lhs_hint = false} : vector<4096x32xf32>, vector<4096x3xf32>, vector<32x3xf32> -> vector<32x3xf32>
    %swap3A = arith.constant 0 : index
    %swap3A_137 = arith.constant 0 : index
    %swap3A_138 = arith.constant 0 : index
    %swap3A_139 = vector.load %arg20[%swap3A, %swap3A_137, %swap3A_138] : memref<1x32x3xf32, #tpu.memory_space<vmem>>, vector<1x32x3xf32>
    %swap3A_140 = vector.shape_cast %swap3A_139 : vector<1x32x3xf32> to vector<32x3xf32>
    %swap3A_141 = vector.shape_cast %dot_general3A_136 : vector<32x3xf32> to vector<1x32x3xf32>
    tpu.vector_store %arg20[%swap3A, %swap3A_137, %swap3A_138], %swap3A_141 {strides = array<i32>} : memref<1x32x3xf32, #tpu.memory_space<vmem>>, vector<1x32x3xf32>,
    return
  }
  func.func @transform_0(%arg0: i32) -> (i32, i32) {
    %c0_i32 = arith.constant 0 : i32
    %c0_i32_0 = arith.constant 0 : i32
    return %arg0, %c0_i32 : i32, i32
  }
  func.func @transform_1(%arg0: i32) -> (i32, i32) {
    %c0_i32 = arith.constant 0 : i32
    %c0_i32_0 = arith.constant 0 : i32
    return %arg0, %c0_i32 : i32, i32
  }
  func.func @transform_2(%arg0: i32) -> (i32, i32) {
    %c0_i32 = arith.constant 0 : i32
    %c0_i32_0 = arith.constant 0 : i32
    return %arg0, %c0_i32 : i32, i32
  }
  func.func @transform_3(%arg0: i32) -> (i32, i32) {
    %c0_i32 = arith.constant 0 : i32
    %c0_i32_0 = arith.constant 0 : i32
    return %arg0, %c0_i32 : i32, i32
  }
  func.func @transform_4(%arg0: i32) -> (i32, i32) {
    %c0_i32 = arith.constant 0 : i32
    %c0_i32_0 = arith.constant 0 : i32
    return %arg0, %c0_i32 : i32, i32
  }
  func.func @transform_5(%arg0: i32) -> (i32, i32) {
    %c0_i32 = arith.constant 0 : i32
    %c0_i32_0 = arith.constant 0 : i32
    %c0_i32_1 = arith.constant 0 : i32
    return %c0_i32, %c0_i32_0 : i32, i32
  }
  func.func @transform_6(%arg0: i32) -> (i32, i32) {
    %c0_i32 = arith.constant 0 : i32
    %c0_i32_0 = arith.constant 0 : i32
    %c0_i32_1 = arith.constant 0 : i32
    return %c0_i32, %c0_i32_0 : i32, i32
  }
  func.func @transform_7(%arg0: i32) -> (i32, i32) {
    %c0_i32 = arith.constant 0 : i32
    %c0_i32_0 = arith.constant 0 : i32
    %c0_i32_1 = arith.constant 0 : i32
    return %c0_i32, %c0_i32_0 : i32, i32
  }
  func.func @transform_8(%arg0: i32) -> (i32, i32) {
    %c0_i32 = arith.constant 0 : i32
    %c0_i32_0 = arith.constant 0 : i32
    %c0_i32_1 = arith.constant 0 : i32
    return %c0_i32, %c0_i32_0 : i32, i32
  }
  func.func @transform_9(%arg0: i32) -> (i32, i32) {
    %c0_i32 = arith.constant 0 : i32
    %c0_i32_0 = arith.constant 0 : i32
    %c0_i32_1 = arith.constant 0 : i32
    return %c0_i32, %c0_i32_0 : i32, i32
  }
  func.func @transform_10(%arg0: i32) -> (i32, i32) {
    %c0_i32 = arith.constant 0 : i32
    %c0_i32_0 = arith.constant 0 : i32
    %c0_i32_1 = arith.constant 0 : i32
    return %c0_i32, %c0_i32_0 : i32, i32
  }
  func.func @transform_11(%arg0: i32) -> (i32, i32) {
    %c0_i32 = arith.constant 0 : i32
    %c0_i32_0 = arith.constant 0 : i32
    %c0_i32_1 = arith.constant 0 : i32
    return %c0_i32, %c0_i32_0 : i32, i32
  }
  func.func @transform_12(%arg0: i32) -> (i32, i32) {
    %c0_i32 = arith.constant 0 : i32
    %c0_i32_0 = arith.constant 0 : i32
    %c0_i32_1 = arith.constant 0 : i32
    return %c0_i32, %c0_i32_0 : i32, i32
  }
  func.func @transform_13(%arg0: i32) -> (i32, i32) {
    %c0_i32 = arith.constant 0 : i32
    %c0_i32_0 = arith.constant 0 : i32
    %c0_i32_1 = arith.constant 0 : i32
    return %c0_i32, %c0_i32_0 : i32, i32
  }
  func.func @transform_14(%arg0: i32) -> (i32, i32) {
    %c0_i32 = arith.constant 0 : i32
    %c0_i32_0 = arith.constant 0 : i32
    %c0_i32_1 = arith.constant 0 : i32
    return %c0_i32, %c0_i32_0 : i32, i32
  }
  func.func @transform_15(%arg0: i32) -> (i32, i32) {
    %c0_i32 = arith.constant 0 : i32
    %c0_i32_0 = arith.constant 0 : i32
    %c0_i32_1 = arith.constant 0 : i32
    return %c0_i32, %c0_i32_0 : i32, i32
  }
  func.func @transform_16(%arg0: i32) -> (i32, i32) {
    %c0_i32 = arith.constant 0 : i32
    %c0_i32_0 = arith.constant 0 : i32
    %c0_i32_1 = arith.constant 0 : i32
    return %c0_i32, %c0_i32_0 : i32, i32
  }
  func.func @transform_17(%arg0: i32) -> (i32, i32) {
    %c0_i32 = arith.constant 0 : i32
    %c0_i32_0 = arith.constant 0 : i32
    %c0_i32_1 = arith.constant 0 : i32
    return %c0_i32, %c0_i32_0 : i32, i32
  }
  func.func @transform_18(%arg0: i32) -> (i32, i32) {
    %c0_i32 = arith.constant 0 : i32
    %c0_i32_0 = arith.constant 0 : i32
    %c0_i32_1 = arith.constant 0 : i32
    return %c0_i32, %c0_i32_0 : i32, i32
  }
  func.func @transform_19(%arg0: i32) -> (i32, i32, i32) {
    %c0_i32 = arith.constant 0 : i32
    %c0_i32_0 = arith.constant 0 : i32
    %c0_i32_1 = arith.constant 0 : i32
    return %arg0, %c0_i32, %c0_i32_0 : i32, i32, i32
  }
}

</mosaic_0001>

<sc_bundles>
// kernel: kernel.5.cloned.1.call-start
scs
__scs_entry_jumppad:
0x0: {  	(pc) =	sbr.rel $0x88, $3  }
0x1: {  	(tag) =	ssettag $0x0;
	lr =	simm.s32 $0x1  }
0x2: {  	[smem:$0x3F8C] =	sst lr;
	_ =	strace $0xD0000000  }
0x3: {  	_ = 	snop  }
0x4: {  	_ = 	snop  }
0x5: {  	_ = 	snop  }
0x6: {  	_ = 	snop  }
0x7: {  	_ = 	snop  }
__scs_overlays_trampoline_lowered:
0x8: {  	[smem:$0x3F9B] =	sst s0  }
0x9: {  	[smem:$0x3F9C] =	sst s1  }
0xa: {  	[smem:$0x3F9D] =	sst s2  }
0xb: {  	[smem:$0x3F9E] =	sst s3  }
0xc: {  	[smem:$0x3F9F] =	sst s4  }
0xd: {  	[smem:$0x3FA0] =	sst s5  }
0xe: {  	[smem:$0x3FA1] =	sst s6  }
0xf: {  	[smem:$0x3FA2] =	sst s7  }
0x10: {  	[smem:$0x3FA3] =	sst s8  }
0x11: {  	[smem:$0x3FA4] =	sst s9;
	s0 =	simm.s32 @!p0 $0x0  }
0x12: {  	s1 =	sld [smem:$0x3F8A];
	s0 =	simm.s32 @p0 $0x1  }
0x13: {  	[smem:$0x3FA5] =	sst s0;
	s0 =	simm.s32 @!p1 $0x0  }
0x14: {  	s2 =	sld [smem:$0x3F89];
	s0 =	simm.s32 @p1 $0x1  }
0x15: {  	[smem:$0x3FA6] =	sst s0;
	s0 =	simm.s32 @!p2 $0x0  }
0x16: {  	s3 =	sld [smem:$0x3FDB];
	s0 =	simm.s32 @p2 $0x1  }
0x17: {  	s4 =	simm.s32 $0x1BF5;
	[smem:$0x3FA8] =	sst s0  }
0x18: {  	s0 =	sld [smem:$0x3F8B];
	_ =	swait.ge [sflag:s4], $0x0  }
0x19: {  	s7 =	sld [smem:$0x3F8C]  }
0x1a: {  	s8 =	sadd.s32 $0xFFFFE003, lr  }
0x1b: {  	s9 =	sadd.s32 $0xFFFFFEF7, lr;
	s5 =	simm.s32 $0xFFFFFFFF;
	p2 =	slt.u32 s8, $0xFFFFF086  }
0x1c: {  	p1 =	slt.u32 s9, $0xF7A;
	s5 =	simm.s32 @!p2 $0x0  }
0x1d: {  	s5 =	simm.s32 @p1 $0x1;
	p0 =	seq.s32 s7, s2  }
0x1e: {  	s7 =	smul.u32 @!p0 $0xF7A, s2;
	p2 =	seq.s32 @!p0 s5, $0x0  }
0x1f: {  	s9 =	smul.u32 $0xF7A, s1;
	s8 =	simm.s32 @!p0 $0x1BF5;
	p2 =	por !p2, p0  }
0x20: {  	[sflag:s8] =	ssyncset.s32 @!p0 $0xFFFFF086;
	s6 =	sadd.s32 @!p0 s3, s7;
	s7 =	simm.s32 @!p0 $0x108  }
0x21: {  	s3 =	sadd.s32 s3, s9;
	s6 =	sadd.s32 @!p0 $0x88, s6;
	s7 =	simm.s32 @p2 $0x1082  }
0x22: {  	[simem:s7], [sflag:s8] =	dma.local @!p0 [hbm:s6], $0xF7A  }
0x23: {  	s9 =	sor.u32 $0xD0000000, s2;
	s6 =	simm.s32 $0x108;
	_ =	swait.ge @!p0 [sflag:s8], $0x0  }
0x24: {  	s3 =	sadd.s32 $0x88, s3;
	s6 =	simm.s32 @!p1 $0x1082;
	[sflag:s4] =	ssyncset.s32 $0xFFFFF086  }
0x25: {  	[simem:s6], [sflag:s4] =	dma.local [hbm:s3], $0xF7A  }
0x26: {  	[smem:$0x3F8C] =	sst s1;
	(tag) =	ssettag s2;
	_ =	strace s9  }
0x27: {  	s1 =	sld [smem:$0x3F9C]  }
0x28: {  	s2 =	sld [smem:$0x3F9D]  }
0x29: {  	s4 =	sld [smem:$0x3F9F]  }
0x2a: {  	p0 =	seq.s32 s5, $0x0;
	s5 =	sld [smem:$0x3FA0]  }
0x2b: {  	s6 =	sld [smem:$0x3FA1]  }
0x2c: {  	s7 =	sld [smem:$0x3FA2]  }
0x2d: {  	s3 =	simm.s32 $0x108;
	s8 =	sld [smem:$0x3FA3]  }
0x2e: {  	s3 =	simm.s32 @!p0 $0x1082;
	s9 =	sld [smem:$0x3FA4]  }
0x2f: {  	lr =	sadd.s32 s0, s3;
	s0 =	sld [smem:$0x3F9B]  }
0x30: {  	s3 =	sld [smem:$0x3F9E]  }
0x31: {  	[smem:$0x3FA7] =	sst s10  }
0x32: {  	s10 =	sld [smem:$0x3FA5];
	_ =	sdelay $0x3  }
0x33: {  	p0 =	seq.s32 s10, $0x1;
	s10 =	sld [smem:$0x3FA7];
	_ =	sdelay $0x3  }
0x34: {  	[smem:$0x3FA7] =	sst s10  }
0x35: {  	s10 =	sld [smem:$0x3FA6];
	_ =	sdelay $0x3  }
0x36: {  	p1 =	seq.s32 s10, $0x1;
	s10 =	sld [smem:$0x3FA7];
	_ =	sdelay $0x3  }
0x37: {  	[smem:$0x3FA7] =	sst s10  }
0x38: {  	s10 =	sld [smem:$0x3FA8]  }
0x39: {  	_ = 	snop;
	(pc) =	sbr.ind lr, $3  }
0x3a: {  	_ = 	snop  }
0x3b: {  	_ = 	snop  }
0x3c: {  	p2 =	seq.s32 s10, $0x1;
	s10 =	sld [smem:$0x3FA7]  }
0x3d: {  	_ =	shalt  }
0x3e: {  	_ =	shalt  }
0x3f: {  	_ =	shalt  }
0x40: {  	_ =	shalt  }
0x41: {  	_ =	shalt  }
0x42: {  	_ =	shalt  }
0x43: {  	_ =	shalt  }
0x44: {  	_ =	shalt  }
0x45: {  	_ =	shalt  }
0x46: {  	_ =	shalt  }
0x47: {  	_ =	shalt  }
0x48: {  	_ =	shalt  }
0x49: {  	_ =	shalt  }
0x4a: {  	_ =	shalt  }
0x4b: {  	_ =	shalt  }
0x4c: {  	_ =	shalt  }
0x4d: {  	_ =	shalt  }
0x4e: {  	_ =	shalt  }
0x4f: {  	_ =	shalt  }
0x50: {  	_ =	shalt  }
0x51: {  	_ =	shalt  }
0x52: {  	_ =	shalt  }
0x53: {  	_ =	shalt  }
0x54: {  	_ =	shalt  }
0x55: {  	_ =	shalt  }
0x56: {  	_ =	shalt  }
0x57: {  	_ =	shalt  }
0x58: {  	_ =	shalt  }
0x59: {  	_ =	shalt  }
0x5a: {  	_ =	shalt  }
0x5b: {  	_ =	shalt  }
0x5c: {  	_ =	shalt  }
0x5d: {  	_ =	shalt  }
0x5e: {  	_ =	shalt  }
0x5f: {  	_ =	shalt  }
0x60: {  	_ =	shalt  }
0x61: {  	_ =	shalt  }
0x62: {  	_ =	shalt  }
0x63: {  	_ =	shalt  }
0x64: {  	_ =	shalt  }
0x65: {  	_ =	shalt  }
0x66: {  	_ =	shalt  }
0x67: {  	_ =	shalt  }
0x68: {  	_ =	shalt  }
0x69: {  	_ =	shalt  }
0x6a: {  	_ =	shalt  }
0x6b: {  	_ =	shalt  }
0x6c: {  	_ =	shalt  }
0x6d: {  	_ =	shalt  }
0x6e: {  	_ =	shalt  }
0x6f: {  	_ =	shalt  }
0x70: {  	_ =	shalt  }
0x71: {  	_ =	shalt  }
0x72: {  	_ =	shalt  }
0x73: {  	_ =	shalt  }
0x74: {  	_ =	shalt  }
0x75: {  	_ =	shalt  }
0x76: {  	_ =	shalt  }
0x77: {  	_ =	shalt  }
0x78: {  	_ =	shalt  }
0x79: {  	_ =	shalt  }
0x7a: {  	_ =	shalt  }
0x7b: {  	_ =	shalt  }
0x7c: {  	_ =	shalt  }
0x7d: {  	_ =	shalt  }
0x7e: {  	_ =	shalt  }
0x7f: {  	_ =	shalt  }
0x80: {  	_ =	shalt  }
0x81: {  	_ =	shalt  }
0x82: {  	_ =	shalt  }
0x83: {  	_ =	shalt  }
0x84: {  	_ =	shalt  }
0x85: {  	_ =	shalt  }
0x86: {  	_ =	shalt  }
0x87: {  	_ =	shalt  }
.Lfunc_end0:
.L_simem_size_0:
called_computation_lowered:
.L_overlay_start_0:
0x88: {  	s2 =	sld [smem:$0x3FD9]  }
0x89: {  	s3 =	sld [smem:$0x3FFE];
	_ =	sdelay $0x1  }
0x8a: {  	s1 =	srdreg.scid  }
0x8b: {  	s0 =	sand.u32 $0x1, s1  }
0x8c: {  	s16 =	sshll.u32 s0, $0xA;
	s2 =	sadd.s32 s3, s2  }
0x8d: {  	s2 =	sadd.s32 s2, s16  }
0x8e: {  	[smem:$0x3FB3] =	sst s2  }
0x8f: {  	_ = 	snop  }
0x90: {  	(tm) =	ssettm $0x1  }
0x91: {  	s17 =	sld [smem:$0x3FFB];
	_ =	sdelay $0x3  }
0x92: {  	_ =	strace s17  }
0x93: {  	s2 =	sld [smem:$0x3FFC];
	_ =	sdelay $0x3  }
0x94: {  	_ =	strace s2  }
0x95: {  	s2 =	sld [smem:$0x3FFD];
	_ =	sdelay $0x3  }
0x96: {  	_ =	strace s2  }
0x97: {  	_ =	strace $0x8FFFFFFF  }
0x98: {  	s18 =	sld [smem:$0x3FDB];
	_ =	sdelay $0x1  }
0x99: {  	s19 =	simm.s32 $_scs_section_size  }
0x9a: {  	s4 =	simm.s32 $_size__tile_overlayer_lowered;
	s5 =	simm.s32 $_tile_overlayer_lowered  }
0x9b: {  	s22 =	simm.s32 $0x1BFF;
	s21 =	sshll.u32 s5, $0x1;
	s2 =	sadd.s32 s19, s18  }
0x9c: {  	s6 =	simm.s32 $0x0;
	s20 =	sshll.u32 s4, $0x1;
	s4 =	sadd.s32 s21, s2  }
0x9d: {  	[timem:s6], [sflag:s22] =	dma.local [hbm:s4], s20  }
0x9e: {  	_ =	swait.ge [sflag:s22], s20  }
0x9f: {  	s3 =	ssub.s32 $0x0, s20;
	[sflag:s22] =	ssyncset.done $0x0  }
0xa0: {  	[sflag:s22] =	ssyncadd.s32 s3;
	_ =	sdelay $0x1  }
0xa1: {  	s23 =	simm.s32 $0x1B8B  }
0xa2: {  	_ =	swait.ge [sflag:s23], $0x1  }
0xa3: {  	[sflag:s23] =	ssyncset.done $0x0  }
0xa4: {  	s25 =	simm.s32 $0x1B8E;
	s24 =	sld [smem:$0x3FFE];
	[sflag:s23] =	ssyncadd.s32 $0xFFFFFFFF  }
0xa5: {  	s26 =	simm.s32 $execute0_lowered;
	[smem:$0x3FD2] =	sst s25  }
0xa6: {  	s4 =	sshll.u32 s26, $0x1;
	_ =	strace $0x80000046;
	[dreg:$0x1] =	wrdreg $0xFFFFFFFF  }
0xa7: {  	s28 =	simm.s32 $_size_execute0_lowered;
	s2 =	sadd.s32 s2, s4;
	[dreg:$0x0] =	wrdreg $0x0  }
0xa8: {  	s4 =	sshll.u32 s28, $0x1;
	[dreg:$0x2] =	wrdreg s2  }
0xa9: {  	[dreg:$0x3] =	wrdreg s4  }
0xaa: {  	[dreg:$0x4] =	wrdreg $0xC0  }
0xab: {  	_ =	task [dreg:s6], $0x5FFFF  }
0xac: {  	[dreg:$0x1] =	wrdreg $0xFFFFFFFF  }
0xad: {  	[dreg:$0x0] =	wrdreg $0x60  }
0xae: {  	[dreg:$0x2] =	wrdreg s24  }
0xaf: {  	[dreg:$0x3] =	wrdreg $0x9  }
0xb0: {  	_ =	task.clear_ibuf [dreg:s6], $0x4FFFF;
	_ =	strace $0x90000046  }
0xb1: {  	s29 =	simm.s32 $0x9;
	_ =	strace $0x80000048  }
0xb2: {  	_ =	swait.ge [sflag:s29], $0x1  }
0xb3: {  	[sflag:s29] =	ssyncadd.s32 $0xFFFFFFFF  }
0xb4: {  	_ =	strace $0x90000048  }
0xb5: {  	_ =	sfence  }
0xb6: {  	s30 =	sld [smem:$0x0];
	_ =	sdelay $0x2  }
0xb7: {  	s31 =	sshll.u32 s1, $0xD;
	s1 =	sshrl.u32 s1, $0x2  }
0xb8: {  	s3 =	sand.u32 $0x4000, s31;
	s1 =	sadd.s32 s1, s30  }
0xb9: {  	s0 =	sor.u32 s3, s0;
	s1 =	sshll.u32 s1, $0x11  }
0xba: {  	s0 =	sor.u32 s1, s0  }
0xbb: {  	s0 =	sadd.s32 $0x8F2B, s0  }
0xbc: {  	[sflag:s0] =	ssyncadd.remote.s32 $0x1  }
0xbd: {  	_ =	sfence.sel $0xFFFF  }
0xbe: {  	[dreg:$0x0] =	wrdreg $0xFFFFFFFF;
	(pc) =	sbr.abs _section_cstart, $3  }
0xbf: {  	[dreg:$0x1] =	wrdreg $0xFFFFFFFF  }
0xc0: {  	_ =	task.clear_ibuf [dreg:s6], $0x2FFFF;
	_ =	strace $0x9FFFFFFF  }
0xc1: {  	(tm) =	ssettm $0x7FFFFFFF  }
tec
execute0_lowered:
.L_overlay_start_1:
0x0: {  	(tag) =	ssettag $0x1  }
0x1: {  	s0 =	srdreg.scid;
	s5 =	stileid.u32  }
0x2: {  	s1 =	rddreg [dreg:$0x0];
	s2 =	simm.s32 $0x0;
	s15 =	simm.s32 $0x900  }
0x3: {  	s17 =	simm.s32 $0x1100;
	s18 =	simm.s32 $0x1900;
	s19 =	simm.s32 $0x2100  }
0x4: {  	s21 =	simm.s32 $0x2900;
	s22 =	simm.s32 $0x3100;
	s23 =	simm.s32 $0x3900  }
0x5: {  	s24 =	simm.s32 $0x4100;
	s25 =	simm.s32 $0x4900;
	[smem:$0x7FF] =	sst s2  }
0x6: {  	s7 =	simm.s32 $0x100;
	_ =	strace $0x80000047;
	[dreg:$0x3] =	wrdreg s15  }
0x7: {  	s26 =	simm.s32 $0x5100;
	s8 =	simm.s32 $0x5900;
	[dreg:$0x4] =	wrdreg s17  }
0x8: {  	s9 =	simm.s32 $0x6100;
	s10 =	simm.s32 $0x6900;
	[dreg:$0x5] =	wrdreg s18  }
0x9: {  	s11 =	simm.s32 $0x7100;
	s12 =	simm.s32 $0x7900;
	[dreg:$0x6] =	wrdreg s19  }
0xa: {  	s13 =	simm.s32 $0x8100;
	s28 =	simm.s32 $0xF100;
	[dreg:$0x7] =	wrdreg s21  }
0xb: {  	s29 =	simm.s32 $0xF900;
	s30 =	simm.s32 $0x1;
	[dreg:$0x8] =	wrdreg s22  }
0xc: {  	s31 =	simm.s32 $0x0;
	s0 =	sand.u32 $0x1, s0;
	[dreg:$0x9] =	wrdreg s23  }
0xd: {  	s3 =	sshll.u32 s5, $0xE;
	s5 =	sshll.u32 s5, $0x13;
	[dreg:$0xa] =	wrdreg s24  }
0xe: {  	s4 =	sshll.u32 s0, $0xD;
	s16 =	ssub.s32 $0x2, s0;
	[dreg:$0xb] =	wrdreg s25  }
0xf: {  	s0 =	sshll.u32 s0, $0x12;
	[dreg:$0xc] =	wrdreg s26;
	s15 =	simm.s32 $0x9100  }
0x10: {  	s17 =	simm.s32 $0xA100;
	s18 =	simm.s32 $0xA900;
	s19 =	simm.s32 $0xB100  }
0x11: {  	s21 =	simm.s32 $0xC100;
	s22 =	simm.s32 $0xC900;
	s23 =	simm.s32 $0xD100  }
0x12: {  	s24 =	simm.s32 $0xD900;
	s25 =	simm.s32 $0xE100;
	s3 =	sor.u32 s4, s3  }
0x13: {  	s26 =	simm.s32 $0xE900;
	s6 =	sshrl.u32 s16, $0x1;
	s3 =	sshrl.u32 s3, $0x3  }
0x14: {  	s14 =	sadd.s32 s3, s1;
	s3 =	sadd.s32 $0x5000, s1;
	s1 =	sadd.s32 s5, s1  }
0x15: {  	s5 =	ssub.s32 s16, s6;
	s6 =	simm.s32 $0x2;
	s4 =	sadd.s32 $0x1F05000, s14  }
0x16: {  	v2 =	vlaneseq.u32;
	s20 =	smax.u32 s5, $0x1;
	s0 =	sadd.s32 s0, s1;
	[dreg:$0x2] =	wrdreg s4  }
0x17: {  	vm0 =	vmmov $0xffff;
	v1 =	vshrl.u32 v2, $0x3;
	s16 =	simm.s32 $0x9900;
	[dreg:$0xd] =	wrdreg s20;
	s0 =	sadd.s32 $0x2B05000, s0  }
0x18: {  	v0 =	vand.u32 $0x7, v2;
	v2 =	vor.u32 $0x8, v2;
	v1 =	vmul.u32 $0x8, v1;
	s14 =	simm.s32 $0x8900;
	s20 =	simm.s32 $0xB900;
	[dreg:$0xe] =	wrdreg s0  }
.LBB2_1:
0x19: {  	s5 =	rddreg [dreg:$0xe];
	s0 =	simm.s32 $0x0  }
.LBB2_2:
0x1a: {  	s4 =	rddreg [dreg:$0x2]  }
0x1b: {  	s4 =	sadd.s32 s0, s4  }
0x1c: {  	[tilespmem:s2], [sflag:$0x2] =	stream.linear.gather [hbm4b:s4+s2], $0x100, $0x38;
	[tilespmem:$0x10100] =	vst v63  }
0x1d: {  	_ =	swait.ge [sflag:s6], $0x100  }
0x1e: {  	[sflag:s6] =	ssyncset.done $0x0  }
0x1f: {  	[sflag:s6] =	ssyncadd.s32 $0xFFFFFF00  }
0x20: {  	v3 =	vld [tilespmem:$0x0];
	_ =	sdelay $0x4  }
0x21: {  	v4 =	vshll.u32 v3, $0x1  }
0x22: {  	v3 =	vand.u32 $0x7, v3;
	v4 =	vand.u32 $0xFFFFFFF0, v4  }
0x23: {  	v3 =	vor.u32 v3, v4  }
0x24: {  	v4 =	vperm.xlane v3, v0;
	_ =	sdelay $0x1  }
0x25: {  	v3 =	vperm.xlane v3, v2;
	v4 =	vadd.s32 v1, v4;
	_ =	sdelay $0x1  }
0x26: {  	v3 =	vadd.s32 v1, v3;
	_ =	sdelay $0x2  }
0x27: {  	[tilespmem:s7], [sflag:$0x1] =	stream.indirect_vreg.gather [hbm4b:s3+s2], $0x80, v4, vm0, $0xb8;
	[tilespmem:$0x10100] =	vst v63  }
0x28: {  	s1 =	rddreg [dreg:$0x3]  }
0x29: {  	[tilespmem:s1], [sflag:$0x1] =	stream.indirect_vreg.gather [hbm4b:s3+s2], $0x80, v3, vm0, $0xb8;
	[tilespmem:$0x10100] =	vst v63  }
0x2a: {  	v3 =	vld [tilespmem:$0x10];
	_ =	sdelay $0x4  }
0x2b: {  	v49 =	vshll.u32 v3, $0x1  }
0x2c: {  	v3 =	vand.u32 $0x7, v3;
	v4 =	vand.u32 $0xFFFFFFF0, v49  }
0x2d: {  	v3 =	vor.u32 v3, v4  }
0x2e: {  	v4 =	vperm.xlane v3, v0;
	_ =	sdelay $0x1  }
0x2f: {  	v3 =	vperm.xlane v3, v2;
	v4 =	vadd.s32 v1, v4;
	_ =	sdelay $0x1  }
0x30: {  	v3 =	vadd.s32 v1, v3;
	_ =	sdelay $0x1  }
0x31: {  	s4 =	rddreg [dreg:$0x4]  }
0x32: {  	[tilespmem:s4], [sflag:$0x1] =	stream.indirect_vreg.gather [hbm4b:s3+s2], $0x80, v4, vm0, $0xb8;
	[tilespmem:$0x10100] =	vst v63  }
0x33: {  	s1 =	rddreg [dreg:$0x5]  }
0x34: {  	[tilespmem:s1], [sflag:$0x1] =	stream.indirect_vreg.gather [hbm4b:s3+s2], $0x80, v3, vm0, $0xb8;
	[tilespmem:$0x10100] =	vst v63  }
0x35: {  	v3 =	vld [tilespmem:$0x20];
	_ =	sdelay $0x4  }
0x36: {  	v50 =	vshll.u32 v3, $0x1  }
0x37: {  	v3 =	vand.u32 $0x7, v3;
	v4 =	vand.u32 $0xFFFFFFF0, v50  }
0x38: {  	v3 =	vor.u32 v3, v4  }
0x39: {  	v4 =	vperm.xlane v3, v0;
	_ =	sdelay $0x1  }
0x3a: {  	v3 =	vperm.xlane v3, v2;
	v4 =	vadd.s32 v1, v4;
	_ =	sdelay $0x1  }
0x3b: {  	v3 =	vadd.s32 v1, v3;
	_ =	sdelay $0x1  }
0x3c: {  	s1 =	rddreg [dreg:$0x6]  }
0x3d: {  	[tilespmem:s1], [sflag:$0x1] =	stream.indirect_vreg.gather [hbm4b:s3+s2], $0x80, v4, vm0, $0xb8;
	[tilespmem:$0x10100] =	vst v63  }
0x3e: {  	s4 =	rddreg [dreg:$0x7]  }
0x3f: {  	[tilespmem:s4], [sflag:$0x1] =	stream.indirect_vreg.gather [hbm4b:s3+s2], $0x80, v3, vm0, $0xb8;
	[tilespmem:$0x10100] =	vst v63  }
0x40: {  	v3 =	vld [tilespmem:$0x30];
	_ =	sdelay $0x4  }
0x41: {  	v51 =	vshll.u32 v3, $0x1  }
0x42: {  	v3 =	vand.u32 $0x7, v3;
	v4 =	vand.u32 $0xFFFFFFF0, v51  }
0x43: {  	v3 =	vor.u32 v3, v4  }
0x44: {  	v4 =	vperm.xlane v3, v0;
	_ =	sdelay $0x1  }
0x45: {  	v3 =	vperm.xlane v3, v2;
	v4 =	vadd.s32 v1, v4;
	_ =	sdelay $0x1  }
0x46: {  	v3 =	vadd.s32 v1, v3;
	_ =	sdelay $0x1  }
0x47: {  	s1 =	rddreg [dreg:$0x8]  }
0x48: {  	[tilespmem:s1], [sflag:$0x1] =	stream.indirect_vreg.gather [hbm4b:s3+s2], $0x80, v4, vm0, $0xb8;
	[tilespmem:$0x10100] =	vst v63  }
0x49: {  	s4 =	rddreg [dreg:$0x9]  }
0x4a: {  	[tilespmem:s4], [sflag:$0x1] =	stream.indirect_vreg.gather [hbm4b:s3+s2], $0x80, v3, vm0, $0xb8;
	[tilespmem:$0x10100] =	vst v63  }
0x4b: {  	v3 =	vld [tilespmem:$0x40];
	_ =	sdelay $0x4  }
0x4c: {  	v52 =	vshll.u32 v3, $0x1  }
0x4d: {  	v3 =	vand.u32 $0x7, v3;
	v4 =	vand.u32 $0xFFFFFFF0, v52  }
0x4e: {  	v3 =	vor.u32 v3, v4  }
0x4f: {  	v4 =	vperm.xlane v3, v0;
	_ =	sdelay $0x1  }
0x50: {  	v3 =	vperm.xlane v3, v2;
	v4 =	vadd.s32 v1, v4;
	_ =	sdelay $0x1  }
0x51: {  	v3 =	vadd.s32 v1, v3;
	_ =	sdelay $0x1  }
0x52: {  	s1 =	rddreg [dreg:$0xa]  }
0x53: {  	[tilespmem:s1], [sflag:$0x1] =	stream.indirect_vreg.gather [hbm4b:s3+s2], $0x80, v4, vm0, $0xb8;
	[tilespmem:$0x10100] =	vst v63  }
0x54: {  	s4 =	rddreg [dreg:$0xb]  }
0x55: {  	[tilespmem:s4], [sflag:$0x1] =	stream.indirect_vreg.gather [hbm4b:s3+s2], $0x80, v3, vm0, $0xb8;
	[tilespmem:$0x10100] =	vst v63  }
0x56: {  	v3 =	vld [tilespmem:$0x50];
	_ =	sdelay $0x4  }
0x57: {  	v53 =	vshll.u32 v3, $0x1  }
0x58: {  	v3 =	vand.u32 $0x7, v3;
	v4 =	vand.u32 $0xFFFFFFF0, v53  }
0x59: {  	v3 =	vor.u32 v3, v4  }
0x5a: {  	v4 =	vperm.xlane v3, v0;
	_ =	sdelay $0x1  }
0x5b: {  	v3 =	vperm.xlane v3, v2;
	v4 =	vadd.s32 v1, v4;
	_ =	sdelay $0x1  }
0x5c: {  	v3 =	vadd.s32 v1, v3;
	_ =	sdelay $0x1  }
0x5d: {  	s4 =	rddreg [dreg:$0xc]  }
0x5e: {  	[tilespmem:s4], [sflag:$0x1] =	stream.indirect_vreg.gather [hbm4b:s3+s2], $0x80, v4, vm0, $0xb8;
	[tilespmem:$0x10100] =	vst v63  }
0x5f: {  	_ = 	snop  }
0x60: {  	[tilespmem:s8], [sflag:$0x1] =	stream.indirect_vreg.gather [hbm4b:s3+s2], $0x80, v3, vm0, $0xb8;
	[tilespmem:$0x10100] =	vst v63  }
0x61: {  	v3 =	vld [tilespmem:$0x60];
	_ =	sdelay $0x4  }
0x62: {  	v54 =	vshll.u32 v3, $0x1  }
0x63: {  	v3 =	vand.u32 $0x7, v3;
	v4 =	vand.u32 $0xFFFFFFF0, v54  }
0x64: {  	v3 =	vor.u32 v3, v4  }
0x65: {  	v4 =	vperm.xlane v3, v0;
	_ =	sdelay $0x1  }
0x66: {  	v3 =	vperm.xlane v3, v2;
	v4 =	vadd.s32 v1, v4;
	_ =	sdelay $0x1  }
0x67: {  	v3 =	vadd.s32 v1, v3;
	_ =	sdelay $0x2  }
0x68: {  	[tilespmem:s9], [sflag:$0x1] =	stream.indirect_vreg.gather [hbm4b:s3+s2], $0x80, v4, vm0, $0xb8;
	[tilespmem:$0x10100] =	vst v63  }
0x69: {  	_ = 	snop  }
0x6a: {  	[tilespmem:s10], [sflag:$0x1] =	stream.indirect_vreg.gather [hbm4b:s3+s2], $0x80, v3, vm0, $0xb8;
	[tilespmem:$0x10100] =	vst v63  }
0x6b: {  	v3 =	vld [tilespmem:$0x70];
	_ =	sdelay $0x4  }
0x6c: {  	v55 =	vshll.u32 v3, $0x1  }
0x6d: {  	v3 =	vand.u32 $0x7, v3;
	v4 =	vand.u32 $0xFFFFFFF0, v55  }
0x6e: {  	v3 =	vor.u32 v3, v4  }
0x6f: {  	v4 =	vperm.xlane v3, v0;
	_ =	sdelay $0x1  }
0x70: {  	v3 =	vperm.xlane v3, v2;
	v4 =	vadd.s32 v1, v4;
	_ =	sdelay $0x1  }
0x71: {  	v3 =	vadd.s32 v1, v3;
	_ =	sdelay $0x2  }
0x72: {  	[tilespmem:s11], [sflag:$0x1] =	stream.indirect_vreg.gather [hbm4b:s3+s2], $0x80, v4, vm0, $0xb8;
	[tilespmem:$0x10100] =	vst v63  }
0x73: {  	_ = 	snop  }
0x74: {  	[tilespmem:s12], [sflag:$0x1] =	stream.indirect_vreg.gather [hbm4b:s3+s2], $0x80, v3, vm0, $0xb8;
	[tilespmem:$0x10100] =	vst v63  }
0x75: {  	v3 =	vld [tilespmem:$0x80];
	_ =	sdelay $0x4  }
0x76: {  	v56 =	vshll.u32 v3, $0x1  }
0x77: {  	v3 =	vand.u32 $0x7, v3;
	v4 =	vand.u32 $0xFFFFFFF0, v56  }
0x78: {  	v3 =	vor.u32 v3, v4  }
0x79: {  	v4 =	vperm.xlane v3, v0;
	_ =	sdelay $0x1  }
0x7a: {  	v3 =	vperm.xlane v3, v2;
	v4 =	vadd.s32 v1, v4;
	_ =	sdelay $0x1  }
0x7b: {  	v3 =	vadd.s32 v1, v3;
	_ =	sdelay $0x2  }
0x7c: {  	[tilespmem:s13], [sflag:$0x1] =	stream.indirect_vreg.gather [hbm4b:s3+s2], $0x80, v4, vm0, $0xb8;
	[tilespmem:$0x10100] =	vst v63  }
0x7d: {  	_ = 	snop  }
0x7e: {  	[tilespmem:s14], [sflag:$0x1] =	stream.indirect_vreg.gather [hbm4b:s3+s2], $0x80, v3, vm0, $0xb8;
	[tilespmem:$0x10100] =	vst v63  }
0x7f: {  	v3 =	vld [tilespmem:$0x90];
	_ =	sdelay $0x4  }
0x80: {  	v57 =	vshll.u32 v3, $0x1  }
0x81: {  	v3 =	vand.u32 $0x7, v3;
	v4 =	vand.u32 $0xFFFFFFF0, v57  }
0x82: {  	v3 =	vor.u32 v3, v4  }
0x83: {  	v4 =	vperm.xlane v3, v0;
	_ =	sdelay $0x1  }
0x84: {  	v3 =	vperm.xlane v3, v2;
	v4 =	vadd.s32 v1, v4;
	_ =	sdelay $0x1  }
0x85: {  	v3 =	vadd.s32 v1, v3;
	_ =	sdelay $0x2  }
0x86: {  	[tilespmem:s15], [sflag:$0x1] =	stream.indirect_vreg.gather [hbm4b:s3+s2], $0x80, v4, vm0, $0xb8;
	[tilespmem:$0x10100] =	vst v63  }
0x87: {  	_ = 	snop  }
0x88: {  	[tilespmem:s16], [sflag:$0x1] =	stream.indirect_vreg.gather [hbm4b:s3+s2], $0x80, v3, vm0, $0xb8;
	[tilespmem:$0x10100] =	vst v63  }
0x89: {  	v3 =	vld [tilespmem:$0xA0];
	_ =	sdelay $0x4  }
0x8a: {  	v58 =	vshll.u32 v3, $0x1  }
0x8b: {  	v3 =	vand.u32 $0x7, v3;
	v4 =	vand.u32 $0xFFFFFFF0, v58  }
0x8c: {  	v3 =	vor.u32 v3, v4  }
0x8d: {  	v4 =	vperm.xlane v3, v0;
	_ =	sdelay $0x1  }
0x8e: {  	v3 =	vperm.xlane v3, v2;
	v4 =	vadd.s32 v1, v4;
	_ =	sdelay $0x1  }
0x8f: {  	v3 =	vadd.s32 v1, v3;
	_ =	sdelay $0x2  }
0x90: {  	[tilespmem:s17], [sflag:$0x1] =	stream.indirect_vreg.gather [hbm4b:s3+s2], $0x80, v4, vm0, $0xb8;
	[tilespmem:$0x10100] =	vst v63  }
0x91: {  	_ = 	snop  }
0x92: {  	[tilespmem:s18], [sflag:$0x1] =	stream.indirect_vreg.gather [hbm4b:s3+s2], $0x80, v3, vm0, $0xb8;
	[tilespmem:$0x10100] =	vst v63  }
0x93: {  	v3 =	vld [tilespmem:$0xB0];
	_ =	sdelay $0x4  }
0x94: {  	v59 =	vshll.u32 v3, $0x1  }
0x95: {  	v3 =	vand.u32 $0x7, v3;
	v4 =	vand.u32 $0xFFFFFFF0, v59  }
0x96: {  	v3 =	vor.u32 v3, v4  }
0x97: {  	v4 =	vperm.xlane v3, v0;
	_ =	sdelay $0x1  }
0x98: {  	v3 =	vperm.xlane v3, v2;
	v4 =	vadd.s32 v1, v4;
	_ =	sdelay $0x1  }
0x99: {  	v3 =	vadd.s32 v1, v3;
	_ =	sdelay $0x2  }
0x9a: {  	[tilespmem:s19], [sflag:$0x1] =	stream.indirect_vreg.gather [hbm4b:s3+s2], $0x80, v4, vm0, $0xb8;
	[tilespmem:$0x10100] =	vst v63  }
0x9b: {  	_ = 	snop  }
0x9c: {  	[tilespmem:s20], [sflag:$0x1] =	stream.indirect_vreg.gather [hbm4b:s3+s2], $0x80, v3, vm0, $0xb8;
	[tilespmem:$0x10100] =	vst v63  }
0x9d: {  	v3 =	vld [tilespmem:$0xC0];
	_ =	sdelay $0x4  }
0x9e: {  	v60 =	vshll.u32 v3, $0x1  }
0x9f: {  	v3 =	vand.u32 $0x7, v3;
	v4 =	vand.u32 $0xFFFFFFF0, v60  }
0xa0: {  	v3 =	vor.u32 v3, v4  }
0xa1: {  	v4 =	vperm.xlane v3, v0;
	_ =	sdelay $0x1  }
0xa2: {  	v3 =	vperm.xlane v3, v2;
	v4 =	vadd.s32 v1, v4;
	_ =	sdelay $0x1  }
0xa3: {  	v3 =	vadd.s32 v1, v3;
	_ =	sdelay $0x2  }
0xa4: {  	[tilespmem:s21], [sflag:$0x1] =	stream.indirect_vreg.gather [hbm4b:s3+s2], $0x80, v4, vm0, $0xb8;
	[tilespmem:$0x10100] =	vst v63  }
0xa5: {  	_ = 	snop  }
0xa6: {  	[tilespmem:s22], [sflag:$0x1] =	stream.indirect_vreg.gather [hbm4b:s3+s2], $0x80, v3, vm0, $0xb8;
	[tilespmem:$0x10100] =	vst v63  }
0xa7: {  	v3 =	vld [tilespmem:$0xD0];
	_ =	sdelay $0x4  }
0xa8: {  	v61 =	vshll.u32 v3, $0x1  }
0xa9: {  	v3 =	vand.u32 $0x7, v3;
	v4 =	vand.u32 $0xFFFFFFF0, v61  }
0xaa: {  	v3 =	vor.u32 v3, v4  }
0xab: {  	v4 =	vperm.xlane v3, v0;
	_ =	sdelay $0x1  }
0xac: {  	v3 =	vperm.xlane v3, v2;
	v4 =	vadd.s32 v1, v4;
	_ =	sdelay $0x1  }
0xad: {  	v3 =	vadd.s32 v1, v3;
	_ =	sdelay $0x2  }
0xae: {  	[tilespmem:s23], [sflag:$0x1] =	stream.indirect_vreg.gather [hbm4b:s3+s2], $0x80, v4, vm0, $0xb8;
	[tilespmem:$0x10100] =	vst v63  }
0xaf: {  	_ = 	snop  }
0xb0: {  	[tilespmem:s24], [sflag:$0x1] =	stream.indirect_vreg.gather [hbm4b:s3+s2], $0x80, v3, vm0, $0xb8;
	[tilespmem:$0x10100] =	vst v63  }
0xb1: {  	v3 =	vld [tilespmem:$0xE0];
	_ =	sdelay $0x4  }
0xb2: {  	v62 =	vshll.u32 v3, $0x1  }
0xb3: {  	v3 =	vand.u32 $0x7, v3;
	v4 =	vand.u32 $0xFFFFFFF0, v62  }
0xb4: {  	v3 =	vor.u32 v3, v4  }
0xb5: {  	v4 =	vperm.xlane v3, v0;
	_ =	sdelay $0x1  }
0xb6: {  	v3 =	vperm.xlane v3, v2;
	v4 =	vadd.s32 v1, v4;
	_ =	sdelay $0x1  }
0xb7: {  	v3 =	vadd.s32 v1, v3;
	_ =	sdelay $0x2  }
0xb8: {  	[tilespmem:s25], [sflag:$0x1] =	stream.indirect_vreg.gather [hbm4b:s3+s2], $0x80, v4, vm0, $0xb8;
	[tilespmem:$0x10100] =	vst v63  }
0xb9: {  	_ = 	snop  }
0xba: {  	[tilespmem:s26], [sflag:$0x1] =	stream.indirect_vreg.gather [hbm4b:s3+s2], $0x80, v3, vm0, $0xb8;
	[tilespmem:$0x10100] =	vst v63  }
0xbb: {  	v3 =	vld [tilespmem:$0xF0];
	_ =	sdelay $0x4  }
0xbc: {  	v63 =	vshll.u32 v3, $0x1  }
0xbd: {  	v3 =	vand.u32 $0x7, v3;
	v4 =	vand.u32 $0xFFFFFFF0, v63  }
0xbe: {  	v3 =	vor.u32 v3, v4  }
0xbf: {  	v4 =	vperm.xlane v3, v0;
	_ =	sdelay $0x1  }
0xc0: {  	v3 =	vperm.xlane v3, v2;
	v4 =	vadd.s32 v1, v4;
	_ =	sdelay $0x1  }
0xc1: {  	v3 =	vadd.s32 v1, v3;
	_ =	sdelay $0x2  }
0xc2: {  	[tilespmem:s28], [sflag:$0x1] =	stream.indirect_vreg.gather [hbm4b:s3+s2], $0x80, v4, vm0, $0xb8;
	[tilespmem:$0x10100] =	vst v63  }
0xc3: {  	_ = 	snop  }
0xc4: {  	[tilespmem:s29], [sflag:$0x1] =	stream.indirect_vreg.gather [hbm4b:s3+s2], $0x80, v3, vm0, $0xb8;
	[tilespmem:$0x10100] =	vst v63  }
0xc5: {  	_ =	swait.ge [sflag:s30], $0x10000  }
0xc6: {  	p0 =	sne.s32 s0, $0x3E0;
	[sflag:s30] =	ssyncset.done $0x0  }
.Ltmp0:
0xc7: {  	[sflag:s30] =	ssyncadd.s32 $0xFFFF0000;
	(pc) =	sbr.rel @p0 .LBB2_2-.Ltmp0, $4  }
0xc8: {  	[hbm4b:s5+s2] =	stream.linear.scatter [tilespmem:s7], [sflag:$0x2], $0x10000, $0x38;
	[tilespmem:$0x10100] =	vst v63  }
0xc9: {  	_ =	swait.ge [sflag:s6], $0x10000  }
0xca: {  	[sflag:s6] =	ssyncset.done $0x0  }
0xcb: {  	s0 =	sadd.s32 $0x20, s0;
	s5 =	sadd.s32 $0x2000, s5;
	[sflag:s6] =	ssyncadd.s32 $0xFFFF0000  }
0xcc: {  	s31 =	sadd.s32 $0x1, s31;
	s0 =	rddreg [dreg:$0xd]  }
0xcd: {  	p0 =	sne.s32 s31, s0  }
.Ltmp1:
0xce: {  	_ = 	snop;
	(pc) =	sbr.rel @p0 .LBB2_1-.Ltmp1, $1  }
0xcf: {  	_ =	sdelay $0x3  }
0xd0: {  	_ =	sfence.sel $0x180000  }
0xd1: {  	[bflag:$0x0] =	sbarrier.arrive $0xFFFF  }
0xd2: {  	_ =	strace $0x90000047  }
0xd3: {  	s0 =	stileid.u32;
	[bflag:$0x2] =	sbarrier.arrive $0xFFFF  }
0xd4: {  	p0 =	sne.s32 s0, $0x0;
	s0 =	rddreg [dreg:$0x1]  }
0xd5: {  	s0 =	sadd.s32 @!p0 $0x100000, s0  }
0xd6: {  	[sflag:s0] =	ssyncadd.tile.s32 @!p0 $0x1;
	_ =	shalt  }
.Lfunc_end2:
_tile_overlayer_lowered:
.L_overlay_start_2:
0xd7: {  	(tag) =	ssettag $0x2  }
0xd8: {  	s0 =	rddreg [dreg:$0x0];
	s2 =	stileid.u32  }
0xd9: {  	s1 =	rddreg [dreg:$0x1];
	p0 =	sne.s32 s2, $0x0  }
0xda: {  	s3 =	rddreg [dreg:$0x2];
	[bflag:$0x3] =	sbarrier.arrive $0xFFFF;
	s2 =	simm.s32 @!p0 $0x1C02  }
0xdb: {  	[timem:s3], [sflag:s2] =	dma.local @!p0 [hbm:s0], s1  }
0xdc: {  	s0 =	simm.s32 @!p0 $0x2  }
0xdd: {  	_ =	swait.ge @!p0 [sflag:s0], s1  }
0xde: {  	s1 =	ssub.s32 @!p0 $0x0, s1;
	[sflag:s0] =	ssyncset.done @!p0 $0x0  }
0xdf: {  	[sflag:s0] =	ssyncadd.s32 @!p0 s1  }
0xe0: {  	[bflag:$0x3] =	sbarrier.arrive $0xFFFF  }
0xe1: {  	_ =	shalt  }

</sc_bundles>
